<compile_context>
chip_gen: v7x
topology: tpu7x:2x2x1
jax: 0.10.2.dev20260603
libtpu: 0.0.44.dev20260713+nightly
codegen_flags: <defaults>
</compile_context>

<pallas_src>
import functools

import jax
import jax.numpy as jnp
from jax import lax
from jax.experimental import pallas as pl
from jax.experimental.pallas import tpu as pltpu
from jax.experimental.pallas import tpu_sc as plsc

_N = 10000
_E = 320000
_D = 128
_DE = 16
_G = 64

_TILES = 16
_EPT = _E // _TILES
_K = 80
_NCHUNK = _EPT // _K
_RPT = 624


def _sc_body(x_h, src_h, dst_h, m_h, zx_h, seq_h,
             aggx_o,
             src_v, dst_v, rows_v, mrow_v,
             src2_v, dst2_v, mrow2_v, agg_sh, sem, psem_a, psem_b):
    c = lax.axis_index("c")
    s = lax.axis_index("s")
    r0 = s * _RPT

    def fill_seq(base):
        pltpu.sync_copy(seq_h.at[pl.ds(base, _K)], src_v)

    pltpu.sync_copy(zx_h, rows_v)
    for j in range(8):
        fill_seq(r0 + j * _K)
        pltpu.sync_copy(rows_v, agg_sh.at[src_v])

    plsc.subcore_barrier()

    tbase = c * _E + s * _EPT

    def prefetch(i, sv, dv, mv, psem):
        base = tbase + i * _K
        pltpu.async_copy(src_h.at[pl.ds(base, _K)], sv, psem)
        pltpu.async_copy(dst_h.at[pl.ds(base, _K)], dv, psem)
        pltpu.async_copy(m_h.at[pl.ds(base, _K)], mv, psem)

    def wait_pf(sv, dv, mv, psem):
        pltpu.make_async_copy(src_h.at[pl.ds(0, _K)], sv, psem).wait()
        pltpu.make_async_copy(dst_h.at[pl.ds(0, _K)], dv, psem).wait()
        pltpu.make_async_copy(m_h.at[pl.ds(0, _K)], mv, psem).wait()

    def process(sv, dv, mv):
        pltpu.async_copy(x_h.at[sv], rows_v, sem).wait()
        h1 = pltpu.async_copy(rows_v, agg_sh.at[dv], sem, add=True)
        h2 = pltpu.async_copy(mv, agg_sh.at[dv], sem, add=True)
        h1.wait()
        h2.wait()

    prefetch(0, src_v, dst_v, mrow_v, psem_a)

    def pair(i, carry):
        i1 = 2 * i + 1
        i2 = jnp.minimum(2 * i + 2, _NCHUNK - 1)
        wait_pf(src_v, dst_v, mrow_v, psem_a)
        prefetch(i1, src2_v, dst2_v, mrow2_v, psem_b)
        process(src_v, dst_v, mrow_v)
        wait_pf(src2_v, dst2_v, mrow2_v, psem_b)
        prefetch(i2, src_v, dst_v, mrow_v, psem_a)
        process(src2_v, dst2_v, mrow2_v)
        return carry

    lax.fori_loop(0, _NCHUNK // 2, pair, 0)
    wait_pf(src_v, dst_v, mrow_v, psem_a)

    plsc.subcore_barrier()

    for j in range(8):
        rj = r0 + j * _K
        fill_seq(rj)
        pltpu.sync_copy(agg_sh.at[src_v], rows_v)
        pltpu.sync_copy(rows_v, aggx_o.at[c, pl.ds(rj, _K)])


_sc_agg = functools.partial(
    pl.kernel,
    mesh=plsc.VectorSubcoreMesh(core_axis_name="c", subcore_axis_name="s"),
    out_type=jax.ShapeDtypeStruct((2, _N, _D), jnp.float32),
    scratch_types=[
        pltpu.VMEM((_K,), jnp.int32),
        pltpu.VMEM((_K,), jnp.int32),
        pltpu.VMEM((_K, _D), jnp.float32),
        pltpu.VMEM((_K, _D), jnp.float32),
        pltpu.VMEM((_K,), jnp.int32),
        pltpu.VMEM((_K,), jnp.int32),
        pltpu.VMEM((_K, _D), jnp.float32),
        pltpu.VMEM_SHARED((_N, _D), jnp.float32),
        pltpu.SemaphoreType.DMA,
        pltpu.SemaphoreType.DMA,
        pltpu.SemaphoreType.DMA,
    ],
)(_sc_body)


_BM = 4000


def _bf(v):
    return v.astype(jnp.bfloat16).astype(jnp.float32)


def _mw_body(ea_ref, We_ref, m_ref):
    ea = _bf(ea_ref[...])
    We = _bf(We_ref[...])
    acc = ea[:, 0:1] * We[0:1, :]
    for k in range(1, _DE):
        acc = acc + ea[:, k:k + 1] * We[k:k + 1, :]
    m_ref[...] = acc


_mw = pl.pallas_call(
    _mw_body,
    grid=(2 * _E // _BM,),
    in_specs=[
        pl.BlockSpec((_BM, _DE), lambda i: (i, 0)),
        pl.BlockSpec((_DE, _D), lambda i: (0, 0)),
    ],
    out_specs=pl.BlockSpec((_BM, _D), lambda i: (i, 0)),
    out_shape=jax.ShapeDtypeStruct((2 * _E, _D), jnp.float32),
)


_BN = 2000
_NSTEP = _N // _BN


def _tc_body(x1_ref, x2_ref, aggx_ref, bt1_ref, bt2_ref,
             W1_ref, b1_ref, Wc_ref, bc_ref, out_ref,
             p1_acc, p2_acc, c1_acc, c2_acc):
    i = pl.program_id(0)

    @pl.when(i == 0)
    def _init():
        p1_acc[...] = jnp.zeros_like(p1_acc)
        p2_acc[...] = jnp.zeros_like(p2_acc)
        c1_acc[...] = jnp.zeros_like(c1_acc)
        c2_acc[...] = jnp.zeros_like(c2_acc)

    W1 = _bf(W1_ref[...])
    b1 = b1_ref[...]
    gids = lax.broadcasted_iota(jnp.int32, (1, _G), 1)
    ones_bn = jnp.ones((_BN, 1), jnp.float32)
    tdot = (((0,), (0,)), ((), ()))
    hi = lax.Precision.HIGHEST

    def accum(x, agg, bt, p_acc, c_acc):
        t = _bf(x + agg)
        h = jnp.maximum(jnp.dot(t, W1, preferred_element_type=jnp.float32,
                                precision=hi) + b1, 0.0)
        onehot = (bt == gids).astype(jnp.float32)
        p_acc[...] += lax.dot_general(onehot, h, tdot,
                                      preferred_element_type=jnp.float32,
                                      precision=hi)
        c_acc[...] += lax.dot_general(onehot, ones_bn, tdot,
                                      preferred_element_type=jnp.float32,
                                      precision=hi)

    accum(x1_ref[...], aggx_ref[0], bt1_ref[...], p1_acc, c1_acc)
    accum(x2_ref[...], aggx_ref[1], bt2_ref[...], p2_acc, c2_acc)

    @pl.when(i == _NSTEP - 1)
    def _final():
        p1 = p1_acc[...] / jnp.maximum(c1_acc[...], 1.0)
        p2 = p2_acc[...] / jnp.maximum(c2_acc[...], 1.0)
        ge = _bf(jnp.concatenate([p1, p2], axis=1))
        out_ref[...] = (
            jnp.sum(ge * _bf(Wc_ref[...]), axis=1, keepdims=True) + bc_ref[...]
        )


_tc_dense = pl.pallas_call(
    _tc_body,
    grid=(_NSTEP,),
    in_specs=[
        pl.BlockSpec((_BN, _D), lambda i: (i, 0)),
        pl.BlockSpec((_BN, _D), lambda i: (i, 0)),
        pl.BlockSpec((2, _BN, _D), lambda i: (0, i, 0)),
        pl.BlockSpec((_BN, 1), lambda i: (i, 0)),
        pl.BlockSpec((_BN, 1), lambda i: (i, 0)),
        pl.BlockSpec((_D, _D), lambda i: (0, 0)),
        pl.BlockSpec((1, _D), lambda i: (0, 0)),
        pl.BlockSpec((1, 2 * _D), lambda i: (0, 0)),
        pl.BlockSpec((1, 1), lambda i: (0, 0)),
    ],
    out_specs=pl.BlockSpec((_G, 1), lambda i: (0, 0)),
    out_shape=jax.ShapeDtypeStruct((_G, 1), jnp.float32),
    scratch_shapes=[
        pltpu.VMEM((_G, _D), jnp.float32),
        pltpu.VMEM((_G, _D), jnp.float32),
        pltpu.VMEM((_G, 1), jnp.float32),
        pltpu.VMEM((_G, 1), jnp.float32),
    ],
)


def kernel(x1, edge_index1, edge_attr1, batch1, x2, edge_index2, edge_attr2,
           batch2, We, W1, b1, Wc, bc):
    zx = jnp.zeros((_K, _D), jnp.float32)
    x_all = jnp.concatenate([x1, x2], axis=0)
    src_all = jnp.concatenate([edge_index1[0], edge_index2[0] + _N])
    dst_all = jnp.concatenate([edge_index1[1], edge_index2[1]])
    ea_all = jnp.concatenate([edge_attr1, edge_attr2], axis=0)
    seq = jnp.arange(_N + 240, dtype=jnp.int32)
    m_all = _mw(ea_all, We)
    aggx = _sc_agg(x_all, src_all, dst_all, m_all, zx, seq)
    out = _tc_dense(x1, x2, aggx,
                    batch1.reshape(_N, 1), batch2.reshape(_N, 1),
                    W1, b1.reshape(1, _D), Wc.reshape(1, 2 * _D),
                    bc.reshape(1, 1))
    return out

# --- scband reference (transcript-rebuilt; emitter-appended) ---
"""Pipeline reference for scband-graph-isomorphism-model-76785425317994 (READ-ONLY COPY).

The authoritative reference and input builder live on the scoring server;
editing this copy changes nothing except your own understanding.
"""

import jax, jax.numpy as jnp
import numpy as np

N = 10000
E = 320000
D = 128
DE = 16
G = 64


def setup_inputs(seed: int = 0) -> dict:
    key = jax.random.key(seed)
    ks = jax.random.split(key, 13)
    x1 = jax.random.normal(ks[0], (N, D), dtype=jnp.float32)
    edge_index1 = jax.random.randint(ks[1], (2, E), 0, N, dtype=jnp.int32)
    edge_attr1 = jax.random.normal(ks[2], (E, DE), dtype=jnp.float32)
    batch1 = jnp.sort(jax.random.randint(ks[3], (N,), 0, G, dtype=jnp.int32))
    x2 = jax.random.normal(ks[4], (N, D), dtype=jnp.float32)
    edge_index2 = jax.random.randint(ks[5], (2, E), 0, N, dtype=jnp.int32)
    edge_attr2 = jax.random.normal(ks[6], (E, DE), dtype=jnp.float32)
    batch2 = jnp.sort(jax.random.randint(ks[7], (N,), 0, G, dtype=jnp.int32))
    We = jax.random.normal(ks[8], (DE, D), dtype=jnp.float32) * 0.1
    W1 = jax.random.normal(ks[9], (D, D), dtype=jnp.float32) * 0.05
    b1 = jnp.zeros((D,), dtype=jnp.float32)
    Wc = jax.random.normal(ks[10], (2 * D, 1), dtype=jnp.float32) * 0.05
    bc = jnp.zeros((1,), dtype=jnp.float32)
    return {
        "x1": x1, "edge_index1": edge_index1, "edge_attr1": edge_attr1, "batch1": batch1,
        "x2": x2, "edge_index2": edge_index2, "edge_attr2": edge_attr2, "batch2": batch2,
        "We": We, "W1": W1, "b1": b1, "Wc": Wc, "bc": bc,
    }


def _gnn(x, edge_index, edge_attr, We, W1, b1):
    src = edge_index[0]
    dst = edge_index[1]
    msg = jnp.take(x, src, axis=0) + edge_attr @ We
    agg = jax.ops.segment_sum(msg, dst, num_segments=N)
    return jax.nn.relu((x + agg) @ W1 + b1)


def _global_mean_pool(h, batch):
    s = jax.ops.segment_sum(h, batch, num_segments=G)
    cnt = jax.ops.segment_sum(jnp.ones((h.shape[0], 1), h.dtype), batch, num_segments=G)
    return s / jnp.clip(cnt, 1.0)


def reference(x1, edge_index1, edge_attr1, batch1, x2, edge_index2, edge_attr2, batch2, We, W1, b1, Wc, bc):
    gnn_out_1 = _gnn(x1, edge_index1, edge_attr1, We, W1, b1)
    gnn_out_2 = _gnn(x2, edge_index2, edge_attr2, We, W1, b1)
    graph_emb_1 = _global_mean_pool(gnn_out_1, batch1)
    graph_emb_2 = _global_mean_pool(gnn_out_2, batch2)
    graph_emb = jnp.concatenate([graph_emb_1, graph_emb_2], axis=1)
    out = graph_emb @ Wc + bc
    return out

if __name__ == "__main__":
    import jax
    _d = setup_inputs()
    print(jax.jit(kernel)(*tuple(_d.values())))

</pallas_src>

<mosaic_0001>
#map = affine_map<(d0, d1) -> (0, 0)>
#map1 = affine_map<(d0, d1) -> (0)>
#map2 = affine_map<(d0, d1) -> (0, 0, 0)>
module attributes {stable_mosaic.version = 14 : i64} {
  func.func @_sc_body(%arg0: i32, %arg1: i32, %arg2: memref<20000x128xf32, #tpu.memory_space<hbm>>, %arg3: memref<640000xi32, #tpu.memory_space<hbm>>, %arg4: memref<640000xi32, #tpu.memory_space<hbm>>, %arg5: memref<640000x128xf32, #tpu.memory_space<hbm>>, %arg6: memref<80x128xf32, #tpu.memory_space<hbm>>, %arg7: memref<10240xi32, #tpu.memory_space<hbm>>, %arg8: memref<2x10000x128xf32, #tpu.memory_space<hbm>>, %arg9: memref<80xi32, #tpu.memory_space<vmem>>, %arg10: memref<80xi32, #tpu.memory_space<vmem>>, %arg11: memref<80x128xf32, #tpu.memory_space<vmem>>, %arg12: memref<80x128xf32, #tpu.memory_space<vmem>>, %arg13: memref<80xi32, #tpu.memory_space<vmem>>, %arg14: memref<80xi32, #tpu.memory_space<vmem>>, %arg15: memref<80x128xf32, #tpu.memory_space<vmem>>, %arg16: memref<10000x128xf32, #tpu.memory_space<vmem_shared>>, %arg17: memref<!tpu.dma_semaphore, #tpu.memory_space<semaphore_mem>>, %arg18: memref<!tpu.dma_semaphore, #tpu.memory_space<semaphore_mem>>, %arg19: memref<!tpu.dma_semaphore, #tpu.memory_space<semaphore_mem>>) attributes {dimension_semantics = [#tpu.dimension_semantics<core_parallel>, #tpu.dimension_semantics<subcore_parallel>], iteration_bounds = array<i64: 2, 16>, scalar_prefetch = 0 : i64, scratch_operands = 11 : i64, tpu.core_type = #tpu.core_type<sc_vector_subcore>, window_params = [{transform_indices = #map}, {transform_indices = #map1}, {transform_indices = #map1}, {transform_indices = #map}, {transform_indices = #map}, {transform_indices = #map1}, {transform_indices = #map2}]} {
    %mul3A = arith.constant 624 : i32
    %mul3A_0 = arith.muli %arg1, %mul3A : i32
    "tpu.region"() ({
      %run_scoped3A = tpu.sem_alloc : memref<!tpu.dma_semaphore, #tpu.memory_space<semaphore_mem>>
      tpu.enqueue_dma source(%arg6 : memref<80x128xf32, #tpu.memory_space<hbm>>) target(%arg11 : memref<80x128xf32, #tpu.memory_space<vmem>>) target_semaphore(%run_scoped3A : memref<!tpu.dma_semaphore, #tpu.memory_space<semaphore_mem>>)
      tpu.wait_dma2 semaphore(%run_scoped3A : memref<!tpu.dma_semaphore, #tpu.memory_space<semaphore_mem>>) src(%arg6 : memref<80x128xf32, #tpu.memory_space<hbm>>) dst(%arg11 : memref<80x128xf32, #tpu.memory_space<vmem>>)
      tpu.yield
    }) : () -> ()
    %add3A = arith.constant 0 : i32
    %add3A_1 = arith.addi %mul3A_0, %add3A : i32
    "tpu.region"() ({
      %run_scoped3A = tpu.sem_alloc : memref<!tpu.dma_semaphore, #tpu.memory_space<semaphore_mem>>
      %dma_start3A_65 = tpu.memref_slice %arg7[%add3A_1] : memref<10240xi32, #tpu.memory_space<hbm>> -> memref<80xi32, #tpu.memory_space<hbm>>
      %dma_start3A_66 = tpu.memref_slice %arg7[%add3A_1] : memref<10240xi32, #tpu.memory_space<hbm>> -> memref<80xi32, #tpu.memory_space<hbm>>
      tpu.enqueue_dma source(%dma_start3A_66 : memref<80xi32, #tpu.memory_space<hbm>>) target(%arg9 : memref<80xi32, #tpu.memory_space<vmem>>) target_semaphore(%run_scoped3A : memref<!tpu.dma_semaphore, #tpu.memory_space<semaphore_mem>>)
      %dma_wait3A_67 = tpu.memref_slice %arg7[%add3A_1] : memref<10240xi32, #tpu.memory_space<hbm>> -> memref<80xi32, #tpu.memory_space<hbm>>
      %dma_wait3A_68 = tpu.memref_slice %arg7[%add3A_1] : memref<10240xi32, #tpu.memory_space<hbm>> -> memref<80xi32, #tpu.memory_space<hbm>>
      tpu.wait_dma2 semaphore(%run_scoped3A : memref<!tpu.dma_semaphore, #tpu.memory_space<semaphore_mem>>) src(%dma_wait3A_68 : memref<80xi32, #tpu.memory_space<hbm>>) dst(%arg9 : memref<80xi32, #tpu.memory_space<vmem>>)
      tpu.yield
    }) : () -> ()
    "tpu.region"() ({
      %run_scoped3A = tpu.sem_alloc : memref<!tpu.dma_semaphore, #tpu.memory_space<semaphore_mem>>
      %dma_start3A_65 = arith.constant 0 : i32
      %dma_start3A_66 = arith.constant 0 : i32
      %dma_start3A_67 = tpu.memref_slice %arg16[%dma_start3A_65, %dma_start3A_66] : memref<10000x128xf32, #tpu.memory_space<vmem_shared>> -> memref<10000x128xf32, #tpu.memory_space<vmem_shared>>
      tpu.enqueue_indirect_dma source(%arg11 : memref<80x128xf32, #tpu.memory_space<vmem>>) target(%dma_start3A_67 : memref<10000x128xf32, #tpu.memory_space<vmem_shared>>) offsets(%arg9 : memref<80xi32, #tpu.memory_space<vmem>>) semaphore(%run_scoped3A : memref<!tpu.dma_semaphore, #tpu.memory_space<semaphore_mem>>)
      %dma_wait3A_68 = arith.constant 0 : i32
      %dma_wait3A_69 = arith.constant 0 : i32
      %dma_wait3A_70 = tpu.memref_slice %arg16[%dma_wait3A_68, %dma_wait3A_69] : memref<10000x128xf32, #tpu.memory_space<vmem_shared>> -> memref<10000x128xf32, #tpu.memory_space<vmem_shared>>
      tpu.wait_indirect_dma semaphore(%run_scoped3A : memref<!tpu.dma_semaphore, #tpu.memory_space<semaphore_mem>>) src(%arg11 : memref<80x128xf32, #tpu.memory_space<vmem>>) dst(%dma_wait3A_70 : memref<10000x128xf32, #tpu.memory_space<vmem_shared>>)
      tpu.yield
    }) : () -> ()
    %add3A_2 = arith.constant 80 : i32
    %add3A_3 = arith.addi %mul3A_0, %add3A_2 : i32
    "tpu.region"() ({
      %run_scoped3A = tpu.sem_alloc : memref<!tpu.dma_semaphore, #tpu.memory_space<semaphore_mem>>
      %dma_start3A_65 = tpu.memref_slice %arg7[%add3A_3] : memref<10240xi32, #tpu.memory_space<hbm>> -> memref<80xi32, #tpu.memory_space<hbm>>
      %dma_start3A_66 = tpu.memref_slice %arg7[%add3A_3] : memref<10240xi32, #tpu.memory_space<hbm>> -> memref<80xi32, #tpu.memory_space<hbm>>
      tpu.enqueue_dma source(%dma_start3A_66 : memref<80xi32, #tpu.memory_space<hbm>>) target(%arg9 : memref<80xi32, #tpu.memory_space<vmem>>) target_semaphore(%run_scoped3A : memref<!tpu.dma_semaphore, #tpu.memory_space<semaphore_mem>>)
      %dma_wait3A_67 = tpu.memref_slice %arg7[%add3A_3] : memref<10240xi32, #tpu.memory_space<hbm>> -> memref<80xi32, #tpu.memory_space<hbm>>
      %dma_wait3A_68 = tpu.memref_slice %arg7[%add3A_3] : memref<10240xi32, #tpu.memory_space<hbm>> -> memref<80xi32, #tpu.memory_space<hbm>>
      tpu.wait_dma2 semaphore(%run_scoped3A : memref<!tpu.dma_semaphore, #tpu.memory_space<semaphore_mem>>) src(%dma_wait3A_68 : memref<80xi32, #tpu.memory_space<hbm>>) dst(%arg9 : memref<80xi32, #tpu.memory_space<vmem>>)
      tpu.yield
    }) : () -> ()
    "tpu.region"() ({
      %run_scoped3A = tpu.sem_alloc : memref<!tpu.dma_semaphore, #tpu.memory_space<semaphore_mem>>
      %dma_start3A_65 = arith.constant 0 : i32
      %dma_start3A_66 = arith.constant 0 : i32
      %dma_start3A_67 = tpu.memref_slice %arg16[%dma_start3A_65, %dma_start3A_66] : memref<10000x128xf32, #tpu.memory_space<vmem_shared>> -> memref<10000x128xf32, #tpu.memory_space<vmem_shared>>
      tpu.enqueue_indirect_dma source(%arg11 : memref<80x128xf32, #tpu.memory_space<vmem>>) target(%dma_start3A_67 : memref<10000x128xf32, #tpu.memory_space<vmem_shared>>) offsets(%arg9 : memref<80xi32, #tpu.memory_space<vmem>>) semaphore(%run_scoped3A : memref<!tpu.dma_semaphore, #tpu.memory_space<semaphore_mem>>)
      %dma_wait3A_68 = arith.constant 0 : i32
      %dma_wait3A_69 = arith.constant 0 : i32
      %dma_wait3A_70 = tpu.memref_slice %arg16[%dma_wait3A_68, %dma_wait3A_69] : memref<10000x128xf32, #tpu.memory_space<vmem_shared>> -> memref<10000x128xf32, #tpu.memory_space<vmem_shared>>
      tpu.wait_indirect_dma semaphore(%run_scoped3A : memref<!tpu.dma_semaphore, #tpu.memory_space<semaphore_mem>>) src(%arg11 : memref<80x128xf32, #tpu.memory_space<vmem>>) dst(%dma_wait3A_70 : memref<10000x128xf32, #tpu.memory_space<vmem_shared>>)
      tpu.yield
    }) : () -> ()
    %add3A_4 = arith.constant 160 : i32
    %add3A_5 = arith.addi %mul3A_0, %add3A_4 : i32
    "tpu.region"() ({
      %run_scoped3A = tpu.sem_alloc : memref<!tpu.dma_semaphore, #tpu.memory_space<semaphore_mem>>
      %dma_start3A_65 = tpu.memref_slice %arg7[%add3A_5] : memref<10240xi32, #tpu.memory_space<hbm>> -> memref<80xi32, #tpu.memory_space<hbm>>
      %dma_start3A_66 = tpu.memref_slice %arg7[%add3A_5] : memref<10240xi32, #tpu.memory_space<hbm>> -> memref<80xi32, #tpu.memory_space<hbm>>
      tpu.enqueue_dma source(%dma_start3A_66 : memref<80xi32, #tpu.memory_space<hbm>>) target(%arg9 : memref<80xi32, #tpu.memory_space<vmem>>) target_semaphore(%run_scoped3A : memref<!tpu.dma_semaphore, #tpu.memory_space<semaphore_mem>>)
      %dma_wait3A_67 = tpu.memref_slice %arg7[%add3A_5] : memref<10240xi32, #tpu.memory_space<hbm>> -> memref<80xi32, #tpu.memory_space<hbm>>
      %dma_wait3A_68 = tpu.memref_slice %arg7[%add3A_5] : memref<10240xi32, #tpu.memory_space<hbm>> -> memref<80xi32, #tpu.memory_space<hbm>>
      tpu.wait_dma2 semaphore(%run_scoped3A : memref<!tpu.dma_semaphore, #tpu.memory_space<semaphore_mem>>) src(%dma_wait3A_68 : memref<80xi32, #tpu.memory_space<hbm>>) dst(%arg9 : memref<80xi32, #tpu.memory_space<vmem>>)
      tpu.yield
    }) : () -> ()
    "tpu.region"() ({
      %run_scoped3A = tpu.sem_alloc : memref<!tpu.dma_semaphore, #tpu.memory_space<semaphore_mem>>
      %dma_start3A_65 = arith.constant 0 : i32
      %dma_start3A_66 = arith.constant 0 : i32
      %dma_start3A_67 = tpu.memref_slice %arg16[%dma_start3A_65, %dma_start3A_66] : memref<10000x128xf32, #tpu.memory_space<vmem_shared>> -> memref<10000x128xf32, #tpu.memory_space<vmem_shared>>
      tpu.enqueue_indirect_dma source(%arg11 : memref<80x128xf32, #tpu.memory_space<vmem>>) target(%dma_start3A_67 : memref<10000x128xf32, #tpu.memory_space<vmem_shared>>) offsets(%arg9 : memref<80xi32, #tpu.memory_space<vmem>>) semaphore(%run_scoped3A : memref<!tpu.dma_semaphore, #tpu.memory_space<semaphore_mem>>)
      %dma_wait3A_68 = arith.constant 0 : i32
      %dma_wait3A_69 = arith.constant 0 : i32
      %dma_wait3A_70 = tpu.memref_slice %arg16[%dma_wait3A_68, %dma_wait3A_69] : memref<10000x128xf32, #tpu.memory_space<vmem_shared>> -> memref<10000x128xf32, #tpu.memory_space<vmem_shared>>
      tpu.wait_indirect_dma semaphore(%run_scoped3A : memref<!tpu.dma_semaphore, #tpu.memory_space<semaphore_mem>>) src(%arg11 : memref<80x128xf32, #tpu.memory_space<vmem>>) dst(%dma_wait3A_70 : memref<10000x128xf32, #tpu.memory_space<vmem_shared>>)
      tpu.yield
    }) : () -> ()
    %add3A_6 = arith.constant 240 : i32
    %add3A_7 = arith.addi %mul3A_0, %add3A_6 : i32
    "tpu.region"() ({
      %run_scoped3A = tpu.sem_alloc : memref<!tpu.dma_semaphore, #tpu.memory_space<semaphore_mem>>
      %dma_start3A_65 = tpu.memref_slice %arg7[%add3A_7] : memref<10240xi32, #tpu.memory_space<hbm>> -> memref<80xi32, #tpu.memory_space<hbm>>
      %dma_start3A_66 = tpu.memref_slice %arg7[%add3A_7] : memref<10240xi32, #tpu.memory_space<hbm>> -> memref<80xi32, #tpu.memory_space<hbm>>
      tpu.enqueue_dma source(%dma_start3A_66 : memref<80xi32, #tpu.memory_space<hbm>>) target(%arg9 : memref<80xi32, #tpu.memory_space<vmem>>) target_semaphore(%run_scoped3A : memref<!tpu.dma_semaphore, #tpu.memory_space<semaphore_mem>>)
      %dma_wait3A_67 = tpu.memref_slice %arg7[%add3A_7] : memref<10240xi32, #tpu.memory_space<hbm>> -> memref<80xi32, #tpu.memory_space<hbm>>
      %dma_wait3A_68 = tpu.memref_slice %arg7[%add3A_7] : memref<10240xi32, #tpu.memory_space<hbm>> -> memref<80xi32, #tpu.memory_space<hbm>>
      tpu.wait_dma2 semaphore(%run_scoped3A : memref<!tpu.dma_semaphore, #tpu.memory_space<semaphore_mem>>) src(%dma_wait3A_68 : memref<80xi32, #tpu.memory_space<hbm>>) dst(%arg9 : memref<80xi32, #tpu.memory_space<vmem>>)
      tpu.yield
    }) : () -> ()
    "tpu.region"() ({
      %run_scoped3A = tpu.sem_alloc : memref<!tpu.dma_semaphore, #tpu.memory_space<semaphore_mem>>
      %dma_start3A_65 = arith.constant 0 : i32
      %dma_start3A_66 = arith.constant 0 : i32
      %dma_start3A_67 = tpu.memref_slice %arg16[%dma_start3A_65, %dma_start3A_66] : memref<10000x128xf32, #tpu.memory_space<vmem_shared>> -> memref<10000x128xf32, #tpu.memory_space<vmem_shared>>
      tpu.enqueue_indirect_dma source(%arg11 : memref<80x128xf32, #tpu.memory_space<vmem>>) target(%dma_start3A_67 : memref<10000x128xf32, #tpu.memory_space<vmem_shared>>) offsets(%arg9 : memref<80xi32, #tpu.memory_space<vmem>>) semaphore(%run_scoped3A : memref<!tpu.dma_semaphore, #tpu.memory_space<semaphore_mem>>)
      %dma_wait3A_68 = arith.constant 0 : i32
      %dma_wait3A_69 = arith.constant 0 : i32
      %dma_wait3A_70 = tpu.memref_slice %arg16[%dma_wait3A_68, %dma_wait3A_69] : memref<10000x128xf32, #tpu.memory_space<vmem_shared>> -> memref<10000x128xf32, #tpu.memory_space<vmem_shared>>
      tpu.wait_indirect_dma semaphore(%run_scoped3A : memref<!tpu.dma_semaphore, #tpu.memory_space<semaphore_mem>>) src(%arg11 : memref<80x128xf32, #tpu.memory_space<vmem>>) dst(%dma_wait3A_70 : memref<10000x128xf32, #tpu.memory_space<vmem_shared>>)
      tpu.yield
    }) : () -> ()
    %add3A_8 = arith.constant 320 : i32
    %add3A_9 = arith.addi %mul3A_0, %add3A_8 : i32
    "tpu.region"() ({
      %run_scoped3A = tpu.sem_alloc : memref<!tpu.dma_semaphore, #tpu.memory_space<semaphore_mem>>
      %dma_start3A_65 = tpu.memref_slice %arg7[%add3A_9] : memref<10240xi32, #tpu.memory_space<hbm>> -> memref<80xi32, #tpu.memory_space<hbm>>
      %dma_start3A_66 = tpu.memref_slice %arg7[%add3A_9] : memref<10240xi32, #tpu.memory_space<hbm>> -> memref<80xi32, #tpu.memory_space<hbm>>
      tpu.enqueue_dma source(%dma_start3A_66 : memref<80xi32, #tpu.memory_space<hbm>>) target(%arg9 : memref<80xi32, #tpu.memory_space<vmem>>) target_semaphore(%run_scoped3A : memref<!tpu.dma_semaphore, #tpu.memory_space<semaphore_mem>>)
      %dma_wait3A_67 = tpu.memref_slice %arg7[%add3A_9] : memref<10240xi32, #tpu.memory_space<hbm>> -> memref<80xi32, #tpu.memory_space<hbm>>
      %dma_wait3A_68 = tpu.memref_slice %arg7[%add3A_9] : memref<10240xi32, #tpu.memory_space<hbm>> -> memref<80xi32, #tpu.memory_space<hbm>>
      tpu.wait_dma2 semaphore(%run_scoped3A : memref<!tpu.dma_semaphore, #tpu.memory_space<semaphore_mem>>) src(%dma_wait3A_68 : memref<80xi32, #tpu.memory_space<hbm>>) dst(%arg9 : memref<80xi32, #tpu.memory_space<vmem>>)
      tpu.yield
    }) : () -> ()
    "tpu.region"() ({
      %run_scoped3A = tpu.sem_alloc : memref<!tpu.dma_semaphore, #tpu.memory_space<semaphore_mem>>
      %dma_start3A_65 = arith.constant 0 : i32
      %dma_start3A_66 = arith.constant 0 : i32
      %dma_start3A_67 = tpu.memref_slice %arg16[%dma_start3A_65, %dma_start3A_66] : memref<10000x128xf32, #tpu.memory_space<vmem_shared>> -> memref<10000x128xf32, #tpu.memory_space<vmem_shared>>
      tpu.enqueue_indirect_dma source(%arg11 : memref<80x128xf32, #tpu.memory_space<vmem>>) target(%dma_start3A_67 : memref<10000x128xf32, #tpu.memory_space<vmem_shared>>) offsets(%arg9 : memref<80xi32, #tpu.memory_space<vmem>>) semaphore(%run_scoped3A : memref<!tpu.dma_semaphore, #tpu.memory_space<semaphore_mem>>)
      %dma_wait3A_68 = arith.constant 0 : i32
      %dma_wait3A_69 = arith.constant 0 : i32
      %dma_wait3A_70 = tpu.memref_slice %arg16[%dma_wait3A_68, %dma_wait3A_69] : memref<10000x128xf32, #tpu.memory_space<vmem_shared>> -> memref<10000x128xf32, #tpu.memory_space<vmem_shared>>
      tpu.wait_indirect_dma semaphore(%run_scoped3A : memref<!tpu.dma_semaphore, #tpu.memory_space<semaphore_mem>>) src(%arg11 : memref<80x128xf32, #tpu.memory_space<vmem>>) dst(%dma_wait3A_70 : memref<10000x128xf32, #tpu.memory_space<vmem_shared>>)
      tpu.yield
    }) : () -> ()
    %add3A_10 = arith.constant 400 : i32
    %add3A_11 = arith.addi %mul3A_0, %add3A_10 : i32
    "tpu.region"() ({
      %run_scoped3A = tpu.sem_alloc : memref<!tpu.dma_semaphore, #tpu.memory_space<semaphore_mem>>
      %dma_start3A_65 = tpu.memref_slice %arg7[%add3A_11] : memref<10240xi32, #tpu.memory_space<hbm>> -> memref<80xi32, #tpu.memory_space<hbm>>
      %dma_start3A_66 = tpu.memref_slice %arg7[%add3A_11] : memref<10240xi32, #tpu.memory_space<hbm>> -> memref<80xi32, #tpu.memory_space<hbm>>
      tpu.enqueue_dma source(%dma_start3A_66 : memref<80xi32, #tpu.memory_space<hbm>>) target(%arg9 : memref<80xi32, #tpu.memory_space<vmem>>) target_semaphore(%run_scoped3A : memref<!tpu.dma_semaphore, #tpu.memory_space<semaphore_mem>>)
      %dma_wait3A_67 = tpu.memref_slice %arg7[%add3A_11] : memref<10240xi32, #tpu.memory_space<hbm>> -> memref<80xi32, #tpu.memory_space<hbm>>
      %dma_wait3A_68 = tpu.memref_slice %arg7[%add3A_11] : memref<10240xi32, #tpu.memory_space<hbm>> -> memref<80xi32, #tpu.memory_space<hbm>>
      tpu.wait_dma2 semaphore(%run_scoped3A : memref<!tpu.dma_semaphore, #tpu.memory_space<semaphore_mem>>) src(%dma_wait3A_68 : memref<80xi32, #tpu.memory_space<hbm>>) dst(%arg9 : memref<80xi32, #tpu.memory_space<vmem>>)
      tpu.yield
    }) : () -> ()
    "tpu.region"() ({
      %run_scoped3A = tpu.sem_alloc : memref<!tpu.dma_semaphore, #tpu.memory_space<semaphore_mem>>
      %dma_start3A_65 = arith.constant 0 : i32
      %dma_start3A_66 = arith.constant 0 : i32
      %dma_start3A_67 = tpu.memref_slice %arg16[%dma_start3A_65, %dma_start3A_66] : memref<10000x128xf32, #tpu.memory_space<vmem_shared>> -> memref<10000x128xf32, #tpu.memory_space<vmem_shared>>
      tpu.enqueue_indirect_dma source(%arg11 : memref<80x128xf32, #tpu.memory_space<vmem>>) target(%dma_start3A_67 : memref<10000x128xf32, #tpu.memory_space<vmem_shared>>) offsets(%arg9 : memref<80xi32, #tpu.memory_space<vmem>>) semaphore(%run_scoped3A : memref<!tpu.dma_semaphore, #tpu.memory_space<semaphore_mem>>)
      %dma_wait3A_68 = arith.constant 0 : i32
      %dma_wait3A_69 = arith.constant 0 : i32
      %dma_wait3A_70 = tpu.memref_slice %arg16[%dma_wait3A_68, %dma_wait3A_69] : memref<10000x128xf32, #tpu.memory_space<vmem_shared>> -> memref<10000x128xf32, #tpu.memory_space<vmem_shared>>
      tpu.wait_indirect_dma semaphore(%run_scoped3A : memref<!tpu.dma_semaphore, #tpu.memory_space<semaphore_mem>>) src(%arg11 : memref<80x128xf32, #tpu.memory_space<vmem>>) dst(%dma_wait3A_70 : memref<10000x128xf32, #tpu.memory_space<vmem_shared>>)
      tpu.yield
    }) : () -> ()
    %add3A_12 = arith.constant 480 : i32
    %add3A_13 = arith.addi %mul3A_0, %add3A_12 : i32
    "tpu.region"() ({
      %run_scoped3A = tpu.sem_alloc : memref<!tpu.dma_semaphore, #tpu.memory_space<semaphore_mem>>
      %dma_start3A_65 = tpu.memref_slice %arg7[%add3A_13] : memref<10240xi32, #tpu.memory_space<hbm>> -> memref<80xi32, #tpu.memory_space<hbm>>
      %dma_start3A_66 = tpu.memref_slice %arg7[%add3A_13] : memref<10240xi32, #tpu.memory_space<hbm>> -> memref<80xi32, #tpu.memory_space<hbm>>
      tpu.enqueue_dma source(%dma_start3A_66 : memref<80xi32, #tpu.memory_space<hbm>>) target(%arg9 : memref<80xi32, #tpu.memory_space<vmem>>) target_semaphore(%run_scoped3A : memref<!tpu.dma_semaphore, #tpu.memory_space<semaphore_mem>>)
      %dma_wait3A_67 = tpu.memref_slice %arg7[%add3A_13] : memref<10240xi32, #tpu.memory_space<hbm>> -> memref<80xi32, #tpu.memory_space<hbm>>
      %dma_wait3A_68 = tpu.memref_slice %arg7[%add3A_13] : memref<10240xi32, #tpu.memory_space<hbm>> -> memref<80xi32, #tpu.memory_space<hbm>>
      tpu.wait_dma2 semaphore(%run_scoped3A : memref<!tpu.dma_semaphore, #tpu.memory_space<semaphore_mem>>) src(%dma_wait3A_68 : memref<80xi32, #tpu.memory_space<hbm>>) dst(%arg9 : memref<80xi32, #tpu.memory_space<vmem>>)
      tpu.yield
    }) : () -> ()
    "tpu.region"() ({
      %run_scoped3A = tpu.sem_alloc : memref<!tpu.dma_semaphore, #tpu.memory_space<semaphore_mem>>
      %dma_start3A_65 = arith.constant 0 : i32
      %dma_start3A_66 = arith.constant 0 : i32
      %dma_start3A_67 = tpu.memref_slice %arg16[%dma_start3A_65, %dma_start3A_66] : memref<10000x128xf32, #tpu.memory_space<vmem_shared>> -> memref<10000x128xf32, #tpu.memory_space<vmem_shared>>
      tpu.enqueue_indirect_dma source(%arg11 : memref<80x128xf32, #tpu.memory_space<vmem>>) target(%dma_start3A_67 : memref<10000x128xf32, #tpu.memory_space<vmem_shared>>) offsets(%arg9 : memref<80xi32, #tpu.memory_space<vmem>>) semaphore(%run_scoped3A : memref<!tpu.dma_semaphore, #tpu.memory_space<semaphore_mem>>)
      %dma_wait3A_68 = arith.constant 0 : i32
      %dma_wait3A_69 = arith.constant 0 : i32
      %dma_wait3A_70 = tpu.memref_slice %arg16[%dma_wait3A_68, %dma_wait3A_69] : memref<10000x128xf32, #tpu.memory_space<vmem_shared>> -> memref<10000x128xf32, #tpu.memory_space<vmem_shared>>
      tpu.wait_indirect_dma semaphore(%run_scoped3A : memref<!tpu.dma_semaphore, #tpu.memory_space<semaphore_mem>>) src(%arg11 : memref<80x128xf32, #tpu.memory_space<vmem>>) dst(%dma_wait3A_70 : memref<10000x128xf32, #tpu.memory_space<vmem_shared>>)
      tpu.yield
    }) : () -> ()
    %add3A_14 = arith.constant 560 : i32
    %add3A_15 = arith.addi %mul3A_0, %add3A_14 : i32
    "tpu.region"() ({
      %run_scoped3A = tpu.sem_alloc : memref<!tpu.dma_semaphore, #tpu.memory_space<semaphore_mem>>
      %dma_start3A_65 = tpu.memref_slice %arg7[%add3A_15] : memref<10240xi32, #tpu.memory_space<hbm>> -> memref<80xi32, #tpu.memory_space<hbm>>
      %dma_start3A_66 = tpu.memref_slice %arg7[%add3A_15] : memref<10240xi32, #tpu.memory_space<hbm>> -> memref<80xi32, #tpu.memory_space<hbm>>
      tpu.enqueue_dma source(%dma_start3A_66 : memref<80xi32, #tpu.memory_space<hbm>>) target(%arg9 : memref<80xi32, #tpu.memory_space<vmem>>) target_semaphore(%run_scoped3A : memref<!tpu.dma_semaphore, #tpu.memory_space<semaphore_mem>>)
      %dma_wait3A_67 = tpu.memref_slice %arg7[%add3A_15] : memref<10240xi32, #tpu.memory_space<hbm>> -> memref<80xi32, #tpu.memory_space<hbm>>
      %dma_wait3A_68 = tpu.memref_slice %arg7[%add3A_15] : memref<10240xi32, #tpu.memory_space<hbm>> -> memref<80xi32, #tpu.memory_space<hbm>>
      tpu.wait_dma2 semaphore(%run_scoped3A : memref<!tpu.dma_semaphore, #tpu.memory_space<semaphore_mem>>) src(%dma_wait3A_68 : memref<80xi32, #tpu.memory_space<hbm>>) dst(%arg9 : memref<80xi32, #tpu.memory_space<vmem>>)
      tpu.yield
    }) : () -> ()
    "tpu.region"() ({
      %run_scoped3A = tpu.sem_alloc : memref<!tpu.dma_semaphore, #tpu.memory_space<semaphore_mem>>
      %dma_start3A_65 = arith.constant 0 : i32
      %dma_start3A_66 = arith.constant 0 : i32
      %dma_start3A_67 = tpu.memref_slice %arg16[%dma_start3A_65, %dma_start3A_66] : memref<10000x128xf32, #tpu.memory_space<vmem_shared>> -> memref<10000x128xf32, #tpu.memory_space<vmem_shared>>
      tpu.enqueue_indirect_dma source(%arg11 : memref<80x128xf32, #tpu.memory_space<vmem>>) target(%dma_start3A_67 : memref<10000x128xf32, #tpu.memory_space<vmem_shared>>) offsets(%arg9 : memref<80xi32, #tpu.memory_space<vmem>>) semaphore(%run_scoped3A : memref<!tpu.dma_semaphore, #tpu.memory_space<semaphore_mem>>)
      %dma_wait3A_68 = arith.constant 0 : i32
      %dma_wait3A_69 = arith.constant 0 : i32
      %dma_wait3A_70 = tpu.memref_slice %arg16[%dma_wait3A_68, %dma_wait3A_69] : memref<10000x128xf32, #tpu.memory_space<vmem_shared>> -> memref<10000x128xf32, #tpu.memory_space<vmem_shared>>
      tpu.wait_indirect_dma semaphore(%run_scoped3A : memref<!tpu.dma_semaphore, #tpu.memory_space<semaphore_mem>>) src(%arg11 : memref<80x128xf32, #tpu.memory_space<vmem>>) dst(%dma_wait3A_70 : memref<10000x128xf32, #tpu.memory_space<vmem_shared>>)
      tpu.yield
    }) : () -> ()
    %barrier3A = arith.constant 0 : index
    tpu.barrier barrier_id(%barrier3A)
    %mul3A_16 = arith.constant 320000 : i32
    %mul3A_17 = arith.muli %arg0, %mul3A_16 : i32
    %mul3A_18 = arith.constant 20000 : i32
    %mul3A_19 = arith.muli %arg1, %mul3A_18 : i32
    %add3A_20 = arith.addi %mul3A_17, %mul3A_19 : i32
    %add3A_21 = arith.constant 0 : i32
    %add3A_22 = arith.addi %add3A_20, %add3A_21 : i32
    %dma_start3A = tpu.memref_slice %arg3[%add3A_22] : memref<640000xi32, #tpu.memory_space<hbm>> -> memref<80xi32, #tpu.memory_space<hbm>>
    %dma_start3A_23 = tpu.memref_slice %arg3[%add3A_22] : memref<640000xi32, #tpu.memory_space<hbm>> -> memref<80xi32, #tpu.memory_space<hbm>>
    tpu.enqueue_dma source(%dma_start3A_23 : memref<80xi32, #tpu.memory_space<hbm>>) target(%arg9 : memref<80xi32, #tpu.memory_space<vmem>>) target_semaphore(%arg18 : memref<!tpu.dma_semaphore, #tpu.memory_space<semaphore_mem>>)
    %dma_start3A_24 = tpu.memref_slice %arg4[%add3A_22] : memref<640000xi32, #tpu.memory_space<hbm>> -> memref<80xi32, #tpu.memory_space<hbm>>
    %dma_start3A_25 = tpu.memref_slice %arg4[%add3A_22] : memref<640000xi32, #tpu.memory_space<hbm>> -> memref<80xi32, #tpu.memory_space<hbm>>
    tpu.enqueue_dma source(%dma_start3A_25 : memref<80xi32, #tpu.memory_space<hbm>>) target(%arg10 : memref<80xi32, #tpu.memory_space<vmem>>) target_semaphore(%arg18 : memref<!tpu.dma_semaphore, #tpu.memory_space<semaphore_mem>>)
    %dma_start3A_26 = arith.constant 0 : i32
    %dma_start3A_27 = tpu.memref_slice %arg5[%add3A_22, %dma_start3A_26] : memref<640000x128xf32, #tpu.memory_space<hbm>> -> memref<80x128xf32, #tpu.memory_space<hbm>>
    %dma_start3A_28 = arith.constant 0 : i32
    %dma_start3A_29 = tpu.memref_slice %arg5[%add3A_22, %dma_start3A_28] : memref<640000x128xf32, #tpu.memory_space<hbm>> -> memref<80x128xf32, #tpu.memory_space<hbm>>
    tpu.enqueue_dma source(%dma_start3A_29 : memref<80x128xf32, #tpu.memory_space<hbm>>) target(%arg12 : memref<80x128xf32, #tpu.memory_space<vmem>>) target_semaphore(%arg18 : memref<!tpu.dma_semaphore, #tpu.memory_space<semaphore_mem>>)
    %scan3A = arith.constant 0 : i32
    %scan3A_30 = arith.constant 0 : i32
    %scan3A_31 = arith.constant 125 : i32
    %scan3A_32 = arith.addi %scan3A_30, %scan3A_31 : i32
    %scan3A_33 = arith.constant 1 : i32
    scf.for %scan3A_65 = %scan3A_30 to %scan3A_32 step %scan3A_33  : i32 {
      %mul3A_66 = arith.constant 2 : i32
      %mul3A_67 = arith.muli %mul3A_66, %scan3A_65 : i32
      %add3A_68 = arith.constant 1 : i32
      %add3A_69 = arith.addi %mul3A_67, %add3A_68 : i32
      %mul3A_70 = arith.constant 2 : i32
      %mul3A_71 = arith.muli %mul3A_70, %scan3A_65 : i32
      %add3A_72 = arith.constant 2 : i32
      %add3A_73 = arith.addi %mul3A_71, %add3A_72 : i32
      %min3A = arith.constant 249 : i32
      %min3A_74 = arith.minsi %add3A_73, %min3A : i32
      %dma_wait3A_75 = arith.constant 0 : i32
      %dma_wait3A_76 = tpu.memref_slice %arg3[%dma_wait3A_75] : memref<640000xi32, #tpu.memory_space<hbm>> -> memref<80xi32, #tpu.memory_space<hbm>>
      %dma_wait3A_77 = arith.constant 0 : i32
      %dma_wait3A_78 = tpu.memref_slice %arg3[%dma_wait3A_77] : memref<640000xi32, #tpu.memory_space<hbm>> -> memref<80xi32, #tpu.memory_space<hbm>>
      tpu.wait_dma2 semaphore(%arg18 : memref<!tpu.dma_semaphore, #tpu.memory_space<semaphore_mem>>) src(%dma_wait3A_78 : memref<80xi32, #tpu.memory_space<hbm>>) dst(%arg9 : memref<80xi32, #tpu.memory_space<vmem>>)
      %dma_wait3A_79 = arith.constant 0 : i32
      %dma_wait3A_80 = tpu.memref_slice %arg4[%dma_wait3A_79] : memref<640000xi32, #tpu.memory_space<hbm>> -> memref<80xi32, #tpu.memory_space<hbm>>
      %dma_wait3A_81 = arith.constant 0 : i32
      %dma_wait3A_82 = tpu.memref_slice %arg4[%dma_wait3A_81] : memref<640000xi32, #tpu.memory_space<hbm>> -> memref<80xi32, #tpu.memory_space<hbm>>
      tpu.wait_dma2 semaphore(%arg18 : memref<!tpu.dma_semaphore, #tpu.memory_space<semaphore_mem>>) src(%dma_wait3A_82 : memref<80xi32, #tpu.memory_space<hbm>>) dst(%arg10 : memref<80xi32, #tpu.memory_space<vmem>>)
      %dma_wait3A_83 = arith.constant 0 : i32
      %dma_wait3A_84 = arith.constant 0 : i32
      %dma_wait3A_85 = tpu.memref_slice %arg5[%dma_wait3A_83, %dma_wait3A_84] : memref<640000x128xf32, #tpu.memory_space<hbm>> -> memref<80x128xf32, #tpu.memory_space<hbm>>
      %dma_wait3A_86 = arith.constant 0 : i32
      %dma_wait3A_87 = arith.constant 0 : i32
      %dma_wait3A_88 = tpu.memref_slice %arg5[%dma_wait3A_86, %dma_wait3A_87] : memref<640000x128xf32, #tpu.memory_space<hbm>> -> memref<80x128xf32, #tpu.memory_space<hbm>>
      tpu.wait_dma2 semaphore(%arg18 : memref<!tpu.dma_semaphore, #tpu.memory_space<semaphore_mem>>) src(%dma_wait3A_88 : memref<80x128xf32, #tpu.memory_space<hbm>>) dst(%arg12 : memref<80x128xf32, #tpu.memory_space<vmem>>)
      %mul3A_89 = arith.constant 80 : i32
      %mul3A_90 = arith.muli %add3A_69, %mul3A_89 : i32
      %add3A_91 = arith.addi %add3A_20, %mul3A_90 : i32
      %dma_start3A_92 = tpu.memref_slice %arg3[%add3A_91] : memref<640000xi32, #tpu.memory_space<hbm>> -> memref<80xi32, #tpu.memory_space<hbm>>
      %dma_start3A_93 = tpu.memref_slice %arg3[%add3A_91] : memref<640000xi32, #tpu.memory_space<hbm>> -> memref<80xi32, #tpu.memory_space<hbm>>
      tpu.enqueue_dma source(%dma_start3A_93 : memref<80xi32, #tpu.memory_space<hbm>>) target(%arg13 : memref<80xi32, #tpu.memory_space<vmem>>) target_semaphore(%arg19 : memref<!tpu.dma_semaphore, #tpu.memory_space<semaphore_mem>>)
      %dma_start3A_94 = tpu.memref_slice %arg4[%add3A_91] : memref<640000xi32, #tpu.memory_space<hbm>> -> memref<80xi32, #tpu.memory_space<hbm>>
      %dma_start3A_95 = tpu.memref_slice %arg4[%add3A_91] : memref<640000xi32, #tpu.memory_space<hbm>> -> memref<80xi32, #tpu.memory_space<hbm>>
      tpu.enqueue_dma source(%dma_start3A_95 : memref<80xi32, #tpu.memory_space<hbm>>) target(%arg14 : memref<80xi32, #tpu.memory_space<vmem>>) target_semaphore(%arg19 : memref<!tpu.dma_semaphore, #tpu.memory_space<semaphore_mem>>)
      %dma_start3A_96 = arith.constant 0 : i32
      %dma_start3A_97 = tpu.memref_slice %arg5[%add3A_91, %dma_start3A_96] : memref<640000x128xf32, #tpu.memory_space<hbm>> -> memref<80x128xf32, #tpu.memory_space<hbm>>
      %dma_start3A_98 = arith.constant 0 : i32
      %dma_start3A_99 = tpu.memref_slice %arg5[%add3A_91, %dma_start3A_98] : memref<640000x128xf32, #tpu.memory_space<hbm>> -> memref<80x128xf32, #tpu.memory_space<hbm>>
      tpu.enqueue_dma source(%dma_start3A_99 : memref<80x128xf32, #tpu.memory_space<hbm>>) target(%arg15 : memref<80x128xf32, #tpu.memory_space<vmem>>) target_semaphore(%arg19 : memref<!tpu.dma_semaphore, #tpu.memory_space<semaphore_mem>>)
      %dma_start3A_100 = arith.constant 0 : i32
      %dma_start3A_101 = arith.constant 0 : i32
      %dma_start3A_102 = tpu.memref_slice %arg2[%dma_start3A_100, %dma_start3A_101] : memref<20000x128xf32, #tpu.memory_space<hbm>> -> memref<20000x128xf32, #tpu.memory_space<hbm>>
      tpu.enqueue_indirect_dma source(%dma_start3A_102 : memref<20000x128xf32, #tpu.memory_space<hbm>>) target(%arg11 : memref<80x128xf32, #tpu.memory_space<vmem>>) offsets(%arg9 : memref<80xi32, #tpu.memory_space<vmem>>) semaphore(%arg17 : memref<!tpu.dma_semaphore, #tpu.memory_space<semaphore_mem>>)
      %dma_wait3A_103 = arith.constant 0 : i32
      %dma_wait3A_104 = arith.constant 0 : i32
      %dma_wait3A_105 = tpu.memref_slice %arg2[%dma_wait3A_103, %dma_wait3A_104] : memref<20000x128xf32, #tpu.memory_space<hbm>> -> memref<20000x128xf32, #tpu.memory_space<hbm>>
      tpu.wait_indirect_dma semaphore(%arg17 : memref<!tpu.dma_semaphore, #tpu.memory_space<semaphore_mem>>) src(%dma_wait3A_105 : memref<20000x128xf32, #tpu.memory_space<hbm>>) dst(%arg11 : memref<80x128xf32, #tpu.memory_space<vmem>>)
      %dma_start3A_106 = arith.constant 0 : i32
      %dma_start3A_107 = arith.constant 0 : i32
      %dma_start3A_108 = tpu.memref_slice %arg16[%dma_start3A_106, %dma_start3A_107] : memref<10000x128xf32, #tpu.memory_space<vmem_shared>> -> memref<10000x128xf32, #tpu.memory_space<vmem_shared>>
      tpu.enqueue_indirect_dma source(%arg11 : memref<80x128xf32, #tpu.memory_space<vmem>>) target(%dma_start3A_108 : memref<10000x128xf32, #tpu.memory_space<vmem_shared>>) offsets(%arg10 : memref<80xi32, #tpu.memory_space<vmem>>) semaphore(%arg17 : memref<!tpu.dma_semaphore, #tpu.memory_space<semaphore_mem>>) {add = true}
      %dma_start3A_109 = arith.constant 0 : i32
      %dma_start3A_110 = arith.constant 0 : i32
      %dma_start3A_111 = tpu.memref_slice %arg16[%dma_start3A_109, %dma_start3A_110] : memref<10000x128xf32, #tpu.memory_space<vmem_shared>> -> memref<10000x128xf32, #tpu.memory_space<vmem_shared>>
      tpu.enqueue_indirect_dma source(%arg12 : memref<80x128xf32, #tpu.memory_space<vmem>>) target(%dma_start3A_111 : memref<10000x128xf32, #tpu.memory_space<vmem_shared>>) offsets(%arg10 : memref<80xi32, #tpu.memory_space<vmem>>) semaphore(%arg17 : memref<!tpu.dma_semaphore, #tpu.memory_space<semaphore_mem>>) {add = true}
      %dma_wait3A_112 = arith.constant 0 : i32
      %dma_wait3A_113 = arith.constant 0 : i32
      %dma_wait3A_114 = tpu.memref_slice %arg16[%dma_wait3A_112, %dma_wait3A_113] : memref<10000x128xf32, #tpu.memory_space<vmem_shared>> -> memref<10000x128xf32, #tpu.memory_space<vmem_shared>>
      tpu.wait_indirect_dma semaphore(%arg17 : memref<!tpu.dma_semaphore, #tpu.memory_space<semaphore_mem>>) src(%arg11 : memref<80x128xf32, #tpu.memory_space<vmem>>) dst(%dma_wait3A_114 : memref<10000x128xf32, #tpu.memory_space<vmem_shared>>)
      %dma_wait3A_115 = arith.constant 0 : i32
      %dma_wait3A_116 = arith.constant 0 : i32
      %dma_wait3A_117 = tpu.memref_slice %arg16[%dma_wait3A_115, %dma_wait3A_116] : memref<10000x128xf32, #tpu.memory_space<vmem_shared>> -> memref<10000x128xf32, #tpu.memory_space<vmem_shared>>
      tpu.wait_indirect_dma semaphore(%arg17 : memref<!tpu.dma_semaphore, #tpu.memory_space<semaphore_mem>>) src(%arg12 : memref<80x128xf32, #tpu.memory_space<vmem>>) dst(%dma_wait3A_117 : memref<10000x128xf32, #tpu.memory_space<vmem_shared>>)
      %dma_wait3A_118 = arith.constant 0 : i32
      %dma_wait3A_119 = tpu.memref_slice %arg3[%dma_wait3A_118] : memref<640000xi32, #tpu.memory_space<hbm>> -> memref<80xi32, #tpu.memory_space<hbm>>
      %dma_wait3A_120 = arith.constant 0 : i32
      %dma_wait3A_121 = tpu.memref_slice %arg3[%dma_wait3A_120] : memref<640000xi32, #tpu.memory_space<hbm>> -> memref<80xi32, #tpu.memory_space<hbm>>
      tpu.wait_dma2 semaphore(%arg19 : memref<!tpu.dma_semaphore, #tpu.memory_space<semaphore_mem>>) src(%dma_wait3A_121 : memref<80xi32, #tpu.memory_space<hbm>>) dst(%arg13 : memref<80xi32, #tpu.memory_space<vmem>>)
      %dma_wait3A_122 = arith.constant 0 : i32
      %dma_wait3A_123 = tpu.memref_slice %arg4[%dma_wait3A_122] : memref<640000xi32, #tpu.memory_space<hbm>> -> memref<80xi32, #tpu.memory_space<hbm>>
      %dma_wait3A_124 = arith.constant 0 : i32
      %dma_wait3A_125 = tpu.memref_slice %arg4[%dma_wait3A_124] : memref<640000xi32, #tpu.memory_space<hbm>> -> memref<80xi32, #tpu.memory_space<hbm>>
      tpu.wait_dma2 semaphore(%arg19 : memref<!tpu.dma_semaphore, #tpu.memory_space<semaphore_mem>>) src(%dma_wait3A_125 : memref<80xi32, #tpu.memory_space<hbm>>) dst(%arg14 : memref<80xi32, #tpu.memory_space<vmem>>)
      %dma_wait3A_126 = arith.constant 0 : i32
      %dma_wait3A_127 = arith.constant 0 : i32
      %dma_wait3A_128 = tpu.memref_slice %arg5[%dma_wait3A_126, %dma_wait3A_127] : memref<640000x128xf32, #tpu.memory_space<hbm>> -> memref<80x128xf32, #tpu.memory_space<hbm>>
      %dma_wait3A_129 = arith.constant 0 : i32
      %dma_wait3A_130 = arith.constant 0 : i32
      %dma_wait3A_131 = tpu.memref_slice %arg5[%dma_wait3A_129, %dma_wait3A_130] : memref<640000x128xf32, #tpu.memory_space<hbm>> -> memref<80x128xf32, #tpu.memory_space<hbm>>
      tpu.wait_dma2 semaphore(%arg19 : memref<!tpu.dma_semaphore, #tpu.memory_space<semaphore_mem>>) src(%dma_wait3A_131 : memref<80x128xf32, #tpu.memory_space<hbm>>) dst(%arg15 : memref<80x128xf32, #tpu.memory_space<vmem>>)
      %mul3A_132 = arith.constant 80 : i32
      %mul3A_133 = arith.muli %min3A_74, %mul3A_132 : i32
      %add3A_134 = arith.addi %add3A_20, %mul3A_133 : i32
      %dma_start3A_135 = tpu.memref_slice %arg3[%add3A_134] : memref<640000xi32, #tpu.memory_space<hbm>> -> memref<80xi32, #tpu.memory_space<hbm>>
      %dma_start3A_136 = tpu.memref_slice %arg3[%add3A_134] : memref<640000xi32, #tpu.memory_space<hbm>> -> memref<80xi32, #tpu.memory_space<hbm>>
      tpu.enqueue_dma source(%dma_start3A_136 : memref<80xi32, #tpu.memory_space<hbm>>) target(%arg9 : memref<80xi32, #tpu.memory_space<vmem>>) target_semaphore(%arg18 : memref<!tpu.dma_semaphore, #tpu.memory_space<semaphore_mem>>)
      %dma_start3A_137 = tpu.memref_slice %arg4[%add3A_134] : memref<640000xi32, #tpu.memory_space<hbm>> -> memref<80xi32, #tpu.memory_space<hbm>>
      %dma_start3A_138 = tpu.memref_slice %arg4[%add3A_134] : memref<640000xi32, #tpu.memory_space<hbm>> -> memref<80xi32, #tpu.memory_space<hbm>>
      tpu.enqueue_dma source(%dma_start3A_138 : memref<80xi32, #tpu.memory_space<hbm>>) target(%arg10 : memref<80xi32, #tpu.memory_space<vmem>>) target_semaphore(%arg18 : memref<!tpu.dma_semaphore, #tpu.memory_space<semaphore_mem>>)
      %dma_start3A_139 = arith.constant 0 : i32
      %dma_start3A_140 = tpu.memref_slice %arg5[%add3A_134, %dma_start3A_139] : memref<640000x128xf32, #tpu.memory_space<hbm>> -> memref<80x128xf32, #tpu.memory_space<hbm>>
      %dma_start3A_141 = arith.constant 0 : i32
      %dma_start3A_142 = tpu.memref_slice %arg5[%add3A_134, %dma_start3A_141] : memref<640000x128xf32, #tpu.memory_space<hbm>> -> memref<80x128xf32, #tpu.memory_space<hbm>>
      tpu.enqueue_dma source(%dma_start3A_142 : memref<80x128xf32, #tpu.memory_space<hbm>>) target(%arg12 : memref<80x128xf32, #tpu.memory_space<vmem>>) target_semaphore(%arg18 : memref<!tpu.dma_semaphore, #tpu.memory_space<semaphore_mem>>)
      %dma_start3A_143 = arith.constant 0 : i32
      %dma_start3A_144 = arith.constant 0 : i32
      %dma_start3A_145 = tpu.memref_slice %arg2[%dma_start3A_143, %dma_start3A_144] : memref<20000x128xf32, #tpu.memory_space<hbm>> -> memref<20000x128xf32, #tpu.memory_space<hbm>>
      tpu.enqueue_indirect_dma source(%dma_start3A_145 : memref<20000x128xf32, #tpu.memory_space<hbm>>) target(%arg11 : memref<80x128xf32, #tpu.memory_space<vmem>>) offsets(%arg13 : memref<80xi32, #tpu.memory_space<vmem>>) semaphore(%arg17 : memref<!tpu.dma_semaphore, #tpu.memory_space<semaphore_mem>>)
      %dma_wait3A_146 = arith.constant 0 : i32
      %dma_wait3A_147 = arith.constant 0 : i32
      %dma_wait3A_148 = tpu.memref_slice %arg2[%dma_wait3A_146, %dma_wait3A_147] : memref<20000x128xf32, #tpu.memory_space<hbm>> -> memref<20000x128xf32, #tpu.memory_space<hbm>>
      tpu.wait_indirect_dma semaphore(%arg17 : memref<!tpu.dma_semaphore, #tpu.memory_space<semaphore_mem>>) src(%dma_wait3A_148 : memref<20000x128xf32, #tpu.memory_space<hbm>>) dst(%arg11 : memref<80x128xf32, #tpu.memory_space<vmem>>)
      %dma_start3A_149 = arith.constant 0 : i32
      %dma_start3A_150 = arith.constant 0 : i32
      %dma_start3A_151 = tpu.memref_slice %arg16[%dma_start3A_149, %dma_start3A_150] : memref<10000x128xf32, #tpu.memory_space<vmem_shared>> -> memref<10000x128xf32, #tpu.memory_space<vmem_shared>>
      tpu.enqueue_indirect_dma source(%arg11 : memref<80x128xf32, #tpu.memory_space<vmem>>) target(%dma_start3A_151 : memref<10000x128xf32, #tpu.memory_space<vmem_shared>>) offsets(%arg14 : memref<80xi32, #tpu.memory_space<vmem>>) semaphore(%arg17 : memref<!tpu.dma_semaphore, #tpu.memory_space<semaphore_mem>>) {add = true}
      %dma_start3A_152 = arith.constant 0 : i32
      %dma_start3A_153 = arith.constant 0 : i32
      %dma_start3A_154 = tpu.memref_slice %arg16[%dma_start3A_152, %dma_start3A_153] : memref<10000x128xf32, #tpu.memory_space<vmem_shared>> -> memref<10000x128xf32, #tpu.memory_space<vmem_shared>>
      tpu.enqueue_indirect_dma source(%arg15 : memref<80x128xf32, #tpu.memory_space<vmem>>) target(%dma_start3A_154 : memref<10000x128xf32, #tpu.memory_space<vmem_shared>>) offsets(%arg14 : memref<80xi32, #tpu.memory_space<vmem>>) semaphore(%arg17 : memref<!tpu.dma_semaphore, #tpu.memory_space<semaphore_mem>>) {add = true}
      %dma_wait3A_155 = arith.constant 0 : i32
      %dma_wait3A_156 = arith.constant 0 : i32
      %dma_wait3A_157 = tpu.memref_slice %arg16[%dma_wait3A_155, %dma_wait3A_156] : memref<10000x128xf32, #tpu.memory_space<vmem_shared>> -> memref<10000x128xf32, #tpu.memory_space<vmem_shared>>
      tpu.wait_indirect_dma semaphore(%arg17 : memref<!tpu.dma_semaphore, #tpu.memory_space<semaphore_mem>>) src(%arg11 : memref<80x128xf32, #tpu.memory_space<vmem>>) dst(%dma_wait3A_157 : memref<10000x128xf32, #tpu.memory_space<vmem_shared>>)
      %dma_wait3A_158 = arith.constant 0 : i32
      %dma_wait3A_159 = arith.constant 0 : i32
      %dma_wait3A_160 = tpu.memref_slice %arg16[%dma_wait3A_158, %dma_wait3A_159] : memref<10000x128xf32, #tpu.memory_space<vmem_shared>> -> memref<10000x128xf32, #tpu.memory_space<vmem_shared>>
      tpu.wait_indirect_dma semaphore(%arg17 : memref<!tpu.dma_semaphore, #tpu.memory_space<semaphore_mem>>) src(%arg15 : memref<80x128xf32, #tpu.memory_space<vmem>>) dst(%dma_wait3A_160 : memref<10000x128xf32, #tpu.memory_space<vmem_shared>>)
    }
    %scan3A_34 = arith.constant 125 : i32
    %dma_wait3A = arith.constant 0 : i32
    %dma_wait3A_35 = tpu.memref_slice %arg3[%dma_wait3A] : memref<640000xi32, #tpu.memory_space<hbm>> -> memref<80xi32, #tpu.memory_space<hbm>>
    %dma_wait3A_36 = arith.constant 0 : i32
    %dma_wait3A_37 = tpu.memref_slice %arg3[%dma_wait3A_36] : memref<640000xi32, #tpu.memory_space<hbm>> -> memref<80xi32, #tpu.memory_space<hbm>>
    tpu.wait_dma2 semaphore(%arg18 : memref<!tpu.dma_semaphore, #tpu.memory_space<semaphore_mem>>) src(%dma_wait3A_37 : memref<80xi32, #tpu.memory_space<hbm>>) dst(%arg9 : memref<80xi32, #tpu.memory_space<vmem>>)
    %dma_wait3A_38 = arith.constant 0 : i32
    %dma_wait3A_39 = tpu.memref_slice %arg4[%dma_wait3A_38] : memref<640000xi32, #tpu.memory_space<hbm>> -> memref<80xi32, #tpu.memory_space<hbm>>
    %dma_wait3A_40 = arith.constant 0 : i32
    %dma_wait3A_41 = tpu.memref_slice %arg4[%dma_wait3A_40] : memref<640000xi32, #tpu.memory_space<hbm>> -> memref<80xi32, #tpu.memory_space<hbm>>
    tpu.wait_dma2 semaphore(%arg18 : memref<!tpu.dma_semaphore, #tpu.memory_space<semaphore_mem>>) src(%dma_wait3A_41 : memref<80xi32, #tpu.memory_space<hbm>>) dst(%arg10 : memref<80xi32, #tpu.memory_space<vmem>>)
    %dma_wait3A_42 = arith.constant 0 : i32
    %dma_wait3A_43 = arith.constant 0 : i32
    %dma_wait3A_44 = tpu.memref_slice %arg5[%dma_wait3A_42, %dma_wait3A_43] : memref<640000x128xf32, #tpu.memory_space<hbm>> -> memref<80x128xf32, #tpu.memory_space<hbm>>
    %dma_wait3A_45 = arith.constant 0 : i32
    %dma_wait3A_46 = arith.constant 0 : i32
    %dma_wait3A_47 = tpu.memref_slice %arg5[%dma_wait3A_45, %dma_wait3A_46] : memref<640000x128xf32, #tpu.memory_space<hbm>> -> memref<80x128xf32, #tpu.memory_space<hbm>>
    tpu.wait_dma2 semaphore(%arg18 : memref<!tpu.dma_semaphore, #tpu.memory_space<semaphore_mem>>) src(%dma_wait3A_47 : memref<80x128xf32, #tpu.memory_space<hbm>>) dst(%arg12 : memref<80x128xf32, #tpu.memory_space<vmem>>)
    %barrier3A_48 = arith.constant 0 : index
    tpu.barrier barrier_id(%barrier3A_48)
    %add3A_49 = arith.constant 0 : i32
    %add3A_50 = arith.addi %mul3A_0, %add3A_49 : i32
    "tpu.region"() ({
      %run_scoped3A = tpu.sem_alloc : memref<!tpu.dma_semaphore, #tpu.memory_space<semaphore_mem>>
      %dma_start3A_65 = tpu.memref_slice %arg7[%add3A_50] : memref<10240xi32, #tpu.memory_space<hbm>> -> memref<80xi32, #tpu.memory_space<hbm>>
      %dma_start3A_66 = tpu.memref_slice %arg7[%add3A_50] : memref<10240xi32, #tpu.memory_space<hbm>> -> memref<80xi32, #tpu.memory_space<hbm>>
      tpu.enqueue_dma source(%dma_start3A_66 : memref<80xi32, #tpu.memory_space<hbm>>) target(%arg9 : memref<80xi32, #tpu.memory_space<vmem>>) target_semaphore(%run_scoped3A : memref<!tpu.dma_semaphore, #tpu.memory_space<semaphore_mem>>)
      %dma_wait3A_67 = tpu.memref_slice %arg7[%add3A_50] : memref<10240xi32, #tpu.memory_space<hbm>> -> memref<80xi32, #tpu.memory_space<hbm>>
      %dma_wait3A_68 = tpu.memref_slice %arg7[%add3A_50] : memref<10240xi32, #tpu.memory_space<hbm>> -> memref<80xi32, #tpu.memory_space<hbm>>
      tpu.wait_dma2 semaphore(%run_scoped3A : memref<!tpu.dma_semaphore, #tpu.memory_space<semaphore_mem>>) src(%dma_wait3A_68 : memref<80xi32, #tpu.memory_space<hbm>>) dst(%arg9 : memref<80xi32, #tpu.memory_space<vmem>>)
      tpu.yield
    }) : () -> ()
    "tpu.region"() ({
      %run_scoped3A = tpu.sem_alloc : memref<!tpu.dma_semaphore, #tpu.memory_space<semaphore_mem>>
      %dma_start3A_65 = arith.constant 0 : i32
      %dma_start3A_66 = arith.constant 0 : i32
      %dma_start3A_67 = tpu.memref_slice %arg16[%dma_start3A_65, %dma_start3A_66] : memref<10000x128xf32, #tpu.memory_space<vmem_shared>> -> memref<10000x128xf32, #tpu.memory_space<vmem_shared>>
      tpu.enqueue_indirect_dma source(%dma_start3A_67 : memref<10000x128xf32, #tpu.memory_space<vmem_shared>>) target(%arg11 : memref<80x128xf32, #tpu.memory_space<vmem>>) offsets(%arg9 : memref<80xi32, #tpu.memory_space<vmem>>) semaphore(%run_scoped3A : memref<!tpu.dma_semaphore, #tpu.memory_space<semaphore_mem>>)
      %dma_wait3A_68 = arith.constant 0 : i32
      %dma_wait3A_69 = arith.constant 0 : i32
      %dma_wait3A_70 = tpu.memref_slice %arg16[%dma_wait3A_68, %dma_wait3A_69] : memref<10000x128xf32, #tpu.memory_space<vmem_shared>> -> memref<10000x128xf32, #tpu.memory_space<vmem_shared>>
      tpu.wait_indirect_dma semaphore(%run_scoped3A : memref<!tpu.dma_semaphore, #tpu.memory_space<semaphore_mem>>) src(%dma_wait3A_70 : memref<10000x128xf32, #tpu.memory_space<vmem_shared>>) dst(%arg11 : memref<80x128xf32, #tpu.memory_space<vmem>>)
      tpu.yield
    }) : () -> ()
    "tpu.region"() ({
      %run_scoped3A = tpu.sem_alloc : memref<!tpu.dma_semaphore, #tpu.memory_space<semaphore_mem>>
      %dma_start3A_65 = arith.constant 0 : i32
      %dma_start3A_66 = tpu.memref_slice %arg8[%arg0, %add3A_50, %dma_start3A_65] : memref<2x10000x128xf32, #tpu.memory_space<hbm>> -> memref<1x80x128xf32, #tpu.memory_space<hbm>>
      %dma_start3A_67 = tpu.memref_squeeze %dma_start3A_66 : memref<1x80x128xf32, #tpu.memory_space<hbm>> -> memref<80x128xf32, #tpu.memory_space<hbm>>
      %dma_start3A_68 = arith.constant 0 : i32
      %dma_start3A_69 = tpu.memref_slice %arg8[%arg0, %add3A_50, %dma_start3A_68] : memref<2x10000x128xf32, #tpu.memory_space<hbm>> -> memref<1x80x128xf32, #tpu.memory_space<hbm>>
      %dma_start3A_70 = tpu.memref_squeeze %dma_start3A_69 : memref<1x80x128xf32, #tpu.memory_space<hbm>> -> memref<80x128xf32, #tpu.memory_space<hbm>>
      tpu.enqueue_dma source(%arg11 : memref<80x128xf32, #tpu.memory_space<vmem>>) target(%dma_start3A_70 : memref<80x128xf32, #tpu.memory_space<hbm>>) target_semaphore(%run_scoped3A : memref<!tpu.dma_semaphore, #tpu.memory_space<semaphore_mem>>)
      %dma_wait3A_71 = arith.constant 0 : i32
      %dma_wait3A_72 = tpu.memref_slice %arg8[%arg0, %add3A_50, %dma_wait3A_71] : memref<2x10000x128xf32, #tpu.memory_space<hbm>> -> memref<1x80x128xf32, #tpu.memory_space<hbm>>
      %dma_wait3A_73 = tpu.memref_squeeze %dma_wait3A_72 : memref<1x80x128xf32, #tpu.memory_space<hbm>> -> memref<80x128xf32, #tpu.memory_space<hbm>>
      %dma_wait3A_74 = arith.constant 0 : i32
      %dma_wait3A_75 = tpu.memref_slice %arg8[%arg0, %add3A_50, %dma_wait3A_74] : memref<2x10000x128xf32, #tpu.memory_space<hbm>> -> memref<1x80x128xf32, #tpu.memory_space<hbm>>
      %dma_wait3A_76 = tpu.memref_squeeze %dma_wait3A_75 : memref<1x80x128xf32, #tpu.memory_space<hbm>> -> memref<80x128xf32, #tpu.memory_space<hbm>>
      tpu.wait_dma2 semaphore(%run_scoped3A : memref<!tpu.dma_semaphore, #tpu.memory_space<semaphore_mem>>) src(%arg11 : memref<80x128xf32, #tpu.memory_space<vmem>>) dst(%dma_wait3A_76 : memref<80x128xf32, #tpu.memory_space<hbm>>)
      tpu.yield
    }) : () -> ()
    %add3A_51 = arith.constant 80 : i32
    %add3A_52 = arith.addi %mul3A_0, %add3A_51 : i32
    "tpu.region"() ({
      %run_scoped3A = tpu.sem_alloc : memref<!tpu.dma_semaphore, #tpu.memory_space<semaphore_mem>>
      %dma_start3A_65 = tpu.memref_slice %arg7[%add3A_52] : memref<10240xi32, #tpu.memory_space<hbm>> -> memref<80xi32, #tpu.memory_space<hbm>>
      %dma_start3A_66 = tpu.memref_slice %arg7[%add3A_52] : memref<10240xi32, #tpu.memory_space<hbm>> -> memref<80xi32, #tpu.memory_space<hbm>>
      tpu.enqueue_dma source(%dma_start3A_66 : memref<80xi32, #tpu.memory_space<hbm>>) target(%arg9 : memref<80xi32, #tpu.memory_space<vmem>>) target_semaphore(%run_scoped3A : memref<!tpu.dma_semaphore, #tpu.memory_space<semaphore_mem>>)
      %dma_wait3A_67 = tpu.memref_slice %arg7[%add3A_52] : memref<10240xi32, #tpu.memory_space<hbm>> -> memref<80xi32, #tpu.memory_space<hbm>>
      %dma_wait3A_68 = tpu.memref_slice %arg7[%add3A_52] : memref<10240xi32, #tpu.memory_space<hbm>> -> memref<80xi32, #tpu.memory_space<hbm>>
      tpu.wait_dma2 semaphore(%run_scoped3A : memref<!tpu.dma_semaphore, #tpu.memory_space<semaphore_mem>>) src(%dma_wait3A_68 : memref<80xi32, #tpu.memory_space<hbm>>) dst(%arg9 : memref<80xi32, #tpu.memory_space<vmem>>)
      tpu.yield
    }) : () -> ()
    "tpu.region"() ({
      %run_scoped3A = tpu.sem_alloc : memref<!tpu.dma_semaphore, #tpu.memory_space<semaphore_mem>>
      %dma_start3A_65 = arith.constant 0 : i32
      %dma_start3A_66 = arith.constant 0 : i32
      %dma_start3A_67 = tpu.memref_slice %arg16[%dma_start3A_65, %dma_start3A_66] : memref<10000x128xf32, #tpu.memory_space<vmem_shared>> -> memref<10000x128xf32, #tpu.memory_space<vmem_shared>>
      tpu.enqueue_indirect_dma source(%dma_start3A_67 : memref<10000x128xf32, #tpu.memory_space<vmem_shared>>) target(%arg11 : memref<80x128xf32, #tpu.memory_space<vmem>>) offsets(%arg9 : memref<80xi32, #tpu.memory_space<vmem>>) semaphore(%run_scoped3A : memref<!tpu.dma_semaphore, #tpu.memory_space<semaphore_mem>>)
      %dma_wait3A_68 = arith.constant 0 : i32
      %dma_wait3A_69 = arith.constant 0 : i32
      %dma_wait3A_70 = tpu.memref_slice %arg16[%dma_wait3A_68, %dma_wait3A_69] : memref<10000x128xf32, #tpu.memory_space<vmem_shared>> -> memref<10000x128xf32, #tpu.memory_space<vmem_shared>>
      tpu.wait_indirect_dma semaphore(%run_scoped3A : memref<!tpu.dma_semaphore, #tpu.memory_space<semaphore_mem>>) src(%dma_wait3A_70 : memref<10000x128xf32, #tpu.memory_space<vmem_shared>>) dst(%arg11 : memref<80x128xf32, #tpu.memory_space<vmem>>)
      tpu.yield
    }) : () -> ()
    "tpu.region"() ({
      %run_scoped3A = tpu.sem_alloc : memref<!tpu.dma_semaphore, #tpu.memory_space<semaphore_mem>>
      %dma_start3A_65 = arith.constant 0 : i32
      %dma_start3A_66 = tpu.memref_slice %arg8[%arg0, %add3A_52, %dma_start3A_65] : memref<2x10000x128xf32, #tpu.memory_space<hbm>> -> memref<1x80x128xf32, #tpu.memory_space<hbm>>
      %dma_start3A_67 = tpu.memref_squeeze %dma_start3A_66 : memref<1x80x128xf32, #tpu.memory_space<hbm>> -> memref<80x128xf32, #tpu.memory_space<hbm>>
      %dma_start3A_68 = arith.constant 0 : i32
      %dma_start3A_69 = tpu.memref_slice %arg8[%arg0, %add3A_52, %dma_start3A_68] : memref<2x10000x128xf32, #tpu.memory_space<hbm>> -> memref<1x80x128xf32, #tpu.memory_space<hbm>>
      %dma_start3A_70 = tpu.memref_squeeze %dma_start3A_69 : memref<1x80x128xf32, #tpu.memory_space<hbm>> -> memref<80x128xf32, #tpu.memory_space<hbm>>
      tpu.enqueue_dma source(%arg11 : memref<80x128xf32, #tpu.memory_space<vmem>>) target(%dma_start3A_70 : memref<80x128xf32, #tpu.memory_space<hbm>>) target_semaphore(%run_scoped3A : memref<!tpu.dma_semaphore, #tpu.memory_space<semaphore_mem>>)
      %dma_wait3A_71 = arith.constant 0 : i32
      %dma_wait3A_72 = tpu.memref_slice %arg8[%arg0, %add3A_52, %dma_wait3A_71] : memref<2x10000x128xf32, #tpu.memory_space<hbm>> -> memref<1x80x128xf32, #tpu.memory_space<hbm>>
      %dma_wait3A_73 = tpu.memref_squeeze %dma_wait3A_72 : memref<1x80x128xf32, #tpu.memory_space<hbm>> -> memref<80x128xf32, #tpu.memory_space<hbm>>
      %dma_wait3A_74 = arith.constant 0 : i32
      %dma_wait3A_75 = tpu.memref_slice %arg8[%arg0, %add3A_52, %dma_wait3A_74] : memref<2x10000x128xf32, #tpu.memory_space<hbm>> -> memref<1x80x128xf32, #tpu.memory_space<hbm>>
      %dma_wait3A_76 = tpu.memref_squeeze %dma_wait3A_75 : memref<1x80x128xf32, #tpu.memory_space<hbm>> -> memref<80x128xf32, #tpu.memory_space<hbm>>
      tpu.wait_dma2 semaphore(%run_scoped3A : memref<!tpu.dma_semaphore, #tpu.memory_space<semaphore_mem>>) src(%arg11 : memref<80x128xf32, #tpu.memory_space<vmem>>) dst(%dma_wait3A_76 : memref<80x128xf32, #tpu.memory_space<hbm>>)
      tpu.yield
    }) : () -> ()
    %add3A_53 = arith.constant 160 : i32
    %add3A_54 = arith.addi %mul3A_0, %add3A_53 : i32
    "tpu.region"() ({
      %run_scoped3A = tpu.sem_alloc : memref<!tpu.dma_semaphore, #tpu.memory_space<semaphore_mem>>
      %dma_start3A_65 = tpu.memref_slice %arg7[%add3A_54] : memref<10240xi32, #tpu.memory_space<hbm>> -> memref<80xi32, #tpu.memory_space<hbm>>
      %dma_start3A_66 = tpu.memref_slice %arg7[%add3A_54] : memref<10240xi32, #tpu.memory_space<hbm>> -> memref<80xi32, #tpu.memory_space<hbm>>
      tpu.enqueue_dma source(%dma_start3A_66 : memref<80xi32, #tpu.memory_space<hbm>>) target(%arg9 : memref<80xi32, #tpu.memory_space<vmem>>) target_semaphore(%run_scoped3A : memref<!tpu.dma_semaphore, #tpu.memory_space<semaphore_mem>>)
      %dma_wait3A_67 = tpu.memref_slice %arg7[%add3A_54] : memref<10240xi32, #tpu.memory_space<hbm>> -> memref<80xi32, #tpu.memory_space<hbm>>
      %dma_wait3A_68 = tpu.memref_slice %arg7[%add3A_54] : memref<10240xi32, #tpu.memory_space<hbm>> -> memref<80xi32, #tpu.memory_space<hbm>>
      tpu.wait_dma2 semaphore(%run_scoped3A : memref<!tpu.dma_semaphore, #tpu.memory_space<semaphore_mem>>) src(%dma_wait3A_68 : memref<80xi32, #tpu.memory_space<hbm>>) dst(%arg9 : memref<80xi32, #tpu.memory_space<vmem>>)
      tpu.yield
    }) : () -> ()
    "tpu.region"() ({
      %run_scoped3A = tpu.sem_alloc : memref<!tpu.dma_semaphore, #tpu.memory_space<semaphore_mem>>
      %dma_start3A_65 = arith.constant 0 : i32
      %dma_start3A_66 = arith.constant 0 : i32
      %dma_start3A_67 = tpu.memref_slice %arg16[%dma_start3A_65, %dma_start3A_66] : memref<10000x128xf32, #tpu.memory_space<vmem_shared>> -> memref<10000x128xf32, #tpu.memory_space<vmem_shared>>
      tpu.enqueue_indirect_dma source(%dma_start3A_67 : memref<10000x128xf32, #tpu.memory_space<vmem_shared>>) target(%arg11 : memref<80x128xf32, #tpu.memory_space<vmem>>) offsets(%arg9 : memref<80xi32, #tpu.memory_space<vmem>>) semaphore(%run_scoped3A : memref<!tpu.dma_semaphore, #tpu.memory_space<semaphore_mem>>)
      %dma_wait3A_68 = arith.constant 0 : i32
      %dma_wait3A_69 = arith.constant 0 : i32
      %dma_wait3A_70 = tpu.memref_slice %arg16[%dma_wait3A_68, %dma_wait3A_69] : memref<10000x128xf32, #tpu.memory_space<vmem_shared>> -> memref<10000x128xf32, #tpu.memory_space<vmem_shared>>
      tpu.wait_indirect_dma semaphore(%run_scoped3A : memref<!tpu.dma_semaphore, #tpu.memory_space<semaphore_mem>>) src(%dma_wait3A_70 : memref<10000x128xf32, #tpu.memory_space<vmem_shared>>) dst(%arg11 : memref<80x128xf32, #tpu.memory_space<vmem>>)
      tpu.yield
    }) : () -> ()
    "tpu.region"() ({
      %run_scoped3A = tpu.sem_alloc : memref<!tpu.dma_semaphore, #tpu.memory_space<semaphore_mem>>
      %dma_start3A_65 = arith.constant 0 : i32
      %dma_start3A_66 = tpu.memref_slice %arg8[%arg0, %add3A_54, %dma_start3A_65] : memref<2x10000x128xf32, #tpu.memory_space<hbm>> -> memref<1x80x128xf32, #tpu.memory_space<hbm>>
      %dma_start3A_67 = tpu.memref_squeeze %dma_start3A_66 : memref<1x80x128xf32, #tpu.memory_space<hbm>> -> memref<80x128xf32, #tpu.memory_space<hbm>>
      %dma_start3A_68 = arith.constant 0 : i32
      %dma_start3A_69 = tpu.memref_slice %arg8[%arg0, %add3A_54, %dma_start3A_68] : memref<2x10000x128xf32, #tpu.memory_space<hbm>> -> memref<1x80x128xf32, #tpu.memory_space<hbm>>
      %dma_start3A_70 = tpu.memref_squeeze %dma_start3A_69 : memref<1x80x128xf32, #tpu.memory_space<hbm>> -> memref<80x128xf32, #tpu.memory_space<hbm>>
      tpu.enqueue_dma source(%arg11 : memref<80x128xf32, #tpu.memory_space<vmem>>) target(%dma_start3A_70 : memref<80x128xf32, #tpu.memory_space<hbm>>) target_semaphore(%run_scoped3A : memref<!tpu.dma_semaphore, #tpu.memory_space<semaphore_mem>>)
      %dma_wait3A_71 = arith.constant 0 : i32
      %dma_wait3A_72 = tpu.memref_slice %arg8[%arg0, %add3A_54, %dma_wait3A_71] : memref<2x10000x128xf32, #tpu.memory_space<hbm>> -> memref<1x80x128xf32, #tpu.memory_space<hbm>>
      %dma_wait3A_73 = tpu.memref_squeeze %dma_wait3A_72 : memref<1x80x128xf32, #tpu.memory_space<hbm>> -> memref<80x128xf32, #tpu.memory_space<hbm>>
      %dma_wait3A_74 = arith.constant 0 : i32
      %dma_wait3A_75 = tpu.memref_slice %arg8[%arg0, %add3A_54, %dma_wait3A_74] : memref<2x10000x128xf32, #tpu.memory_space<hbm>> -> memref<1x80x128xf32, #tpu.memory_space<hbm>>
      %dma_wait3A_76 = tpu.memref_squeeze %dma_wait3A_75 : memref<1x80x128xf32, #tpu.memory_space<hbm>> -> memref<80x128xf32, #tpu.memory_space<hbm>>
      tpu.wait_dma2 semaphore(%run_scoped3A : memref<!tpu.dma_semaphore, #tpu.memory_space<semaphore_mem>>) src(%arg11 : memref<80x128xf32, #tpu.memory_space<vmem>>) dst(%dma_wait3A_76 : memref<80x128xf32, #tpu.memory_space<hbm>>)
      tpu.yield
    }) : () -> ()
    %add3A_55 = arith.constant 240 : i32
    %add3A_56 = arith.addi %mul3A_0, %add3A_55 : i32
    "tpu.region"() ({
      %run_scoped3A = tpu.sem_alloc : memref<!tpu.dma_semaphore, #tpu.memory_space<semaphore_mem>>
      %dma_start3A_65 = tpu.memref_slice %arg7[%add3A_56] : memref<10240xi32, #tpu.memory_space<hbm>> -> memref<80xi32, #tpu.memory_space<hbm>>
      %dma_start3A_66 = tpu.memref_slice %arg7[%add3A_56] : memref<10240xi32, #tpu.memory_space<hbm>> -> memref<80xi32, #tpu.memory_space<hbm>>
      tpu.enqueue_dma source(%dma_start3A_66 : memref<80xi32, #tpu.memory_space<hbm>>) target(%arg9 : memref<80xi32, #tpu.memory_space<vmem>>) target_semaphore(%run_scoped3A : memref<!tpu.dma_semaphore, #tpu.memory_space<semaphore_mem>>)
      %dma_wait3A_67 = tpu.memref_slice %arg7[%add3A_56] : memref<10240xi32, #tpu.memory_space<hbm>> -> memref<80xi32, #tpu.memory_space<hbm>>
      %dma_wait3A_68 = tpu.memref_slice %arg7[%add3A_56] : memref<10240xi32, #tpu.memory_space<hbm>> -> memref<80xi32, #tpu.memory_space<hbm>>
      tpu.wait_dma2 semaphore(%run_scoped3A : memref<!tpu.dma_semaphore, #tpu.memory_space<semaphore_mem>>) src(%dma_wait3A_68 : memref<80xi32, #tpu.memory_space<hbm>>) dst(%arg9 : memref<80xi32, #tpu.memory_space<vmem>>)
      tpu.yield
    }) : () -> ()
    "tpu.region"() ({
      %run_scoped3A = tpu.sem_alloc : memref<!tpu.dma_semaphore, #tpu.memory_space<semaphore_mem>>
      %dma_start3A_65 = arith.constant 0 : i32
      %dma_start3A_66 = arith.constant 0 : i32
      %dma_start3A_67 = tpu.memref_slice %arg16[%dma_start3A_65, %dma_start3A_66] : memref<10000x128xf32, #tpu.memory_space<vmem_shared>> -> memref<10000x128xf32, #tpu.memory_space<vmem_shared>>
      tpu.enqueue_indirect_dma source(%dma_start3A_67 : memref<10000x128xf32, #tpu.memory_space<vmem_shared>>) target(%arg11 : memref<80x128xf32, #tpu.memory_space<vmem>>) offsets(%arg9 : memref<80xi32, #tpu.memory_space<vmem>>) semaphore(%run_scoped3A : memref<!tpu.dma_semaphore, #tpu.memory_space<semaphore_mem>>)
      %dma_wait3A_68 = arith.constant 0 : i32
      %dma_wait3A_69 = arith.constant 0 : i32
      %dma_wait3A_70 = tpu.memref_slice %arg16[%dma_wait3A_68, %dma_wait3A_69] : memref<10000x128xf32, #tpu.memory_space<vmem_shared>> -> memref<10000x128xf32, #tpu.memory_space<vmem_shared>>
      tpu.wait_indirect_dma semaphore(%run_scoped3A : memref<!tpu.dma_semaphore, #tpu.memory_space<semaphore_mem>>) src(%dma_wait3A_70 : memref<10000x128xf32, #tpu.memory_space<vmem_shared>>) dst(%arg11 : memref<80x128xf32, #tpu.memory_space<vmem>>)
      tpu.yield
    }) : () -> ()
    "tpu.region"() ({
      %run_scoped3A = tpu.sem_alloc : memref<!tpu.dma_semaphore, #tpu.memory_space<semaphore_mem>>
      %dma_start3A_65 = arith.constant 0 : i32
      %dma_start3A_66 = tpu.memref_slice %arg8[%arg0, %add3A_56, %dma_start3A_65] : memref<2x10000x128xf32, #tpu.memory_space<hbm>> -> memref<1x80x128xf32, #tpu.memory_space<hbm>>
      %dma_start3A_67 = tpu.memref_squeeze %dma_start3A_66 : memref<1x80x128xf32, #tpu.memory_space<hbm>> -> memref<80x128xf32, #tpu.memory_space<hbm>>
      %dma_start3A_68 = arith.constant 0 : i32
      %dma_start3A_69 = tpu.memref_slice %arg8[%arg0, %add3A_56, %dma_start3A_68] : memref<2x10000x128xf32, #tpu.memory_space<hbm>> -> memref<1x80x128xf32, #tpu.memory_space<hbm>>
      %dma_start3A_70 = tpu.memref_squeeze %dma_start3A_69 : memref<1x80x128xf32, #tpu.memory_space<hbm>> -> memref<80x128xf32, #tpu.memory_space<hbm>>
      tpu.enqueue_dma source(%arg11 : memref<80x128xf32, #tpu.memory_space<vmem>>) target(%dma_start3A_70 : memref<80x128xf32, #tpu.memory_space<hbm>>) target_semaphore(%run_scoped3A : memref<!tpu.dma_semaphore, #tpu.memory_space<semaphore_mem>>)
      %dma_wait3A_71 = arith.constant 0 : i32
      %dma_wait3A_72 = tpu.memref_slice %arg8[%arg0, %add3A_56, %dma_wait3A_71] : memref<2x10000x128xf32, #tpu.memory_space<hbm>> -> memref<1x80x128xf32, #tpu.memory_space<hbm>>
      %dma_wait3A_73 = tpu.memref_squeeze %dma_wait3A_72 : memref<1x80x128xf32, #tpu.memory_space<hbm>> -> memref<80x128xf32, #tpu.memory_space<hbm>>
      %dma_wait3A_74 = arith.constant 0 : i32
      %dma_wait3A_75 = tpu.memref_slice %arg8[%arg0, %add3A_56, %dma_wait3A_74] : memref<2x10000x128xf32, #tpu.memory_space<hbm>> -> memref<1x80x128xf32, #tpu.memory_space<hbm>>
      %dma_wait3A_76 = tpu.memref_squeeze %dma_wait3A_75 : memref<1x80x128xf32, #tpu.memory_space<hbm>> -> memref<80x128xf32, #tpu.memory_space<hbm>>
      tpu.wait_dma2 semaphore(%run_scoped3A : memref<!tpu.dma_semaphore, #tpu.memory_space<semaphore_mem>>) src(%arg11 : memref<80x128xf32, #tpu.memory_space<vmem>>) dst(%dma_wait3A_76 : memref<80x128xf32, #tpu.memory_space<hbm>>)
      tpu.yield
    }) : () -> ()
    %add3A_57 = arith.constant 320 : i32
    %add3A_58 = arith.addi %mul3A_0, %add3A_57 : i32
    "tpu.region"() ({
      %run_scoped3A = tpu.sem_alloc : memref<!tpu.dma_semaphore, #tpu.memory_space<semaphore_mem>>
      %dma_start3A_65 = tpu.memref_slice %arg7[%add3A_58] : memref<10240xi32, #tpu.memory_space<hbm>> -> memref<80xi32, #tpu.memory_space<hbm>>
      %dma_start3A_66 = tpu.memref_slice %arg7[%add3A_58] : memref<10240xi32, #tpu.memory_space<hbm>> -> memref<80xi32, #tpu.memory_space<hbm>>
      tpu.enqueue_dma source(%dma_start3A_66 : memref<80xi32, #tpu.memory_space<hbm>>) target(%arg9 : memref<80xi32, #tpu.memory_space<vmem>>) target_semaphore(%run_scoped3A : memref<!tpu.dma_semaphore, #tpu.memory_space<semaphore_mem>>)
      %dma_wait3A_67 = tpu.memref_slice %arg7[%add3A_58] : memref<10240xi32, #tpu.memory_space<hbm>> -> memref<80xi32, #tpu.memory_space<hbm>>
      %dma_wait3A_68 = tpu.memref_slice %arg7[%add3A_58] : memref<10240xi32, #tpu.memory_space<hbm>> -> memref<80xi32, #tpu.memory_space<hbm>>
      tpu.wait_dma2 semaphore(%run_scoped3A : memref<!tpu.dma_semaphore, #tpu.memory_space<semaphore_mem>>) src(%dma_wait3A_68 : memref<80xi32, #tpu.memory_space<hbm>>) dst(%arg9 : memref<80xi32, #tpu.memory_space<vmem>>)
      tpu.yield
    }) : () -> ()
    "tpu.region"() ({
      %run_scoped3A = tpu.sem_alloc : memref<!tpu.dma_semaphore, #tpu.memory_space<semaphore_mem>>
      %dma_start3A_65 = arith.constant 0 : i32
      %dma_start3A_66 = arith.constant 0 : i32
      %dma_start3A_67 = tpu.memref_slice %arg16[%dma_start3A_65, %dma_start3A_66] : memref<10000x128xf32, #tpu.memory_space<vmem_shared>> -> memref<10000x128xf32, #tpu.memory_space<vmem_shared>>
      tpu.enqueue_indirect_dma source(%dma_start3A_67 : memref<10000x128xf32, #tpu.memory_space<vmem_shared>>) target(%arg11 : memref<80x128xf32, #tpu.memory_space<vmem>>) offsets(%arg9 : memref<80xi32, #tpu.memory_space<vmem>>) semaphore(%run_scoped3A : memref<!tpu.dma_semaphore, #tpu.memory_space<semaphore_mem>>)
      %dma_wait3A_68 = arith.constant 0 : i32
      %dma_wait3A_69 = arith.constant 0 : i32
      %dma_wait3A_70 = tpu.memref_slice %arg16[%dma_wait3A_68, %dma_wait3A_69] : memref<10000x128xf32, #tpu.memory_space<vmem_shared>> -> memref<10000x128xf32, #tpu.memory_space<vmem_shared>>
      tpu.wait_indirect_dma semaphore(%run_scoped3A : memref<!tpu.dma_semaphore, #tpu.memory_space<semaphore_mem>>) src(%dma_wait3A_70 : memref<10000x128xf32, #tpu.memory_space<vmem_shared>>) dst(%arg11 : memref<80x128xf32, #tpu.memory_space<vmem>>)
      tpu.yield
    }) : () -> ()
    "tpu.region"() ({
      %run_scoped3A = tpu.sem_alloc : memref<!tpu.dma_semaphore, #tpu.memory_space<semaphore_mem>>
      %dma_start3A_65 = arith.constant 0 : i32
      %dma_start3A_66 = tpu.memref_slice %arg8[%arg0, %add3A_58, %dma_start3A_65] : memref<2x10000x128xf32, #tpu.memory_space<hbm>> -> memref<1x80x128xf32, #tpu.memory_space<hbm>>
      %dma_start3A_67 = tpu.memref_squeeze %dma_start3A_66 : memref<1x80x128xf32, #tpu.memory_space<hbm>> -> memref<80x128xf32, #tpu.memory_space<hbm>>
      %dma_start3A_68 = arith.constant 0 : i32
      %dma_start3A_69 = tpu.memref_slice %arg8[%arg0, %add3A_58, %dma_start3A_68] : memref<2x10000x128xf32, #tpu.memory_space<hbm>> -> memref<1x80x128xf32, #tpu.memory_space<hbm>>
      %dma_start3A_70 = tpu.memref_squeeze %dma_start3A_69 : memref<1x80x128xf32, #tpu.memory_space<hbm>> -> memref<80x128xf32, #tpu.memory_space<hbm>>
      tpu.enqueue_dma source(%arg11 : memref<80x128xf32, #tpu.memory_space<vmem>>) target(%dma_start3A_70 : memref<80x128xf32, #tpu.memory_space<hbm>>) target_semaphore(%run_scoped3A : memref<!tpu.dma_semaphore, #tpu.memory_space<semaphore_mem>>)
      %dma_wait3A_71 = arith.constant 0 : i32
      %dma_wait3A_72 = tpu.memref_slice %arg8[%arg0, %add3A_58, %dma_wait3A_71] : memref<2x10000x128xf32, #tpu.memory_space<hbm>> -> memref<1x80x128xf32, #tpu.memory_space<hbm>>
      %dma_wait3A_73 = tpu.memref_squeeze %dma_wait3A_72 : memref<1x80x128xf32, #tpu.memory_space<hbm>> -> memref<80x128xf32, #tpu.memory_space<hbm>>
      %dma_wait3A_74 = arith.constant 0 : i32
      %dma_wait3A_75 = tpu.memref_slice %arg8[%arg0, %add3A_58, %dma_wait3A_74] : memref<2x10000x128xf32, #tpu.memory_space<hbm>> -> memref<1x80x128xf32, #tpu.memory_space<hbm>>
      %dma_wait3A_76 = tpu.memref_squeeze %dma_wait3A_75 : memref<1x80x128xf32, #tpu.memory_space<hbm>> -> memref<80x128xf32, #tpu.memory_space<hbm>>
      tpu.wait_dma2 semaphore(%run_scoped3A : memref<!tpu.dma_semaphore, #tpu.memory_space<semaphore_mem>>) src(%arg11 : memref<80x128xf32, #tpu.memory_space<vmem>>) dst(%dma_wait3A_76 : memref<80x128xf32, #tpu.memory_space<hbm>>)
      tpu.yield
    }) : () -> ()
    %add3A_59 = arith.constant 400 : i32
    %add3A_60 = arith.addi %mul3A_0, %add3A_59 : i32
    "tpu.region"() ({
      %run_scoped3A = tpu.sem_alloc : memref<!tpu.dma_semaphore, #tpu.memory_space<semaphore_mem>>
      %dma_start3A_65 = tpu.memref_slice %arg7[%add3A_60] : memref<10240xi32, #tpu.memory_space<hbm>> -> memref<80xi32, #tpu.memory_space<hbm>>
      %dma_start3A_66 = tpu.memref_slice %arg7[%add3A_60] : memref<10240xi32, #tpu.memory_space<hbm>> -> memref<80xi32, #tpu.memory_space<hbm>>
      tpu.enqueue_dma source(%dma_start3A_66 : memref<80xi32, #tpu.memory_space<hbm>>) target(%arg9 : memref<80xi32, #tpu.memory_space<vmem>>) target_semaphore(%run_scoped3A : memref<!tpu.dma_semaphore, #tpu.memory_space<semaphore_mem>>)
      %dma_wait3A_67 = tpu.memref_slice %arg7[%add3A_60] : memref<10240xi32, #tpu.memory_space<hbm>> -> memref<80xi32, #tpu.memory_space<hbm>>
      %dma_wait3A_68 = tpu.memref_slice %arg7[%add3A_60] : memref<10240xi32, #tpu.memory_space<hbm>> -> memref<80xi32, #tpu.memory_space<hbm>>
      tpu.wait_dma2 semaphore(%run_scoped3A : memref<!tpu.dma_semaphore, #tpu.memory_space<semaphore_mem>>) src(%dma_wait3A_68 : memref<80xi32, #tpu.memory_space<hbm>>) dst(%arg9 : memref<80xi32, #tpu.memory_space<vmem>>)
      tpu.yield
    }) : () -> ()
    "tpu.region"() ({
      %run_scoped3A = tpu.sem_alloc : memref<!tpu.dma_semaphore, #tpu.memory_space<semaphore_mem>>
      %dma_start3A_65 = arith.constant 0 : i32
      %dma_start3A_66 = arith.constant 0 : i32
      %dma_start3A_67 = tpu.memref_slice %arg16[%dma_start3A_65, %dma_start3A_66] : memref<10000x128xf32, #tpu.memory_space<vmem_shared>> -> memref<10000x128xf32, #tpu.memory_space<vmem_shared>>
      tpu.enqueue_indirect_dma source(%dma_start3A_67 : memref<10000x128xf32, #tpu.memory_space<vmem_shared>>) target(%arg11 : memref<80x128xf32, #tpu.memory_space<vmem>>) offsets(%arg9 : memref<80xi32, #tpu.memory_space<vmem>>) semaphore(%run_scoped3A : memref<!tpu.dma_semaphore, #tpu.memory_space<semaphore_mem>>)
      %dma_wait3A_68 = arith.constant 0 : i32
      %dma_wait3A_69 = arith.constant 0 : i32
      %dma_wait3A_70 = tpu.memref_slice %arg16[%dma_wait3A_68, %dma_wait3A_69] : memref<10000x128xf32, #tpu.memory_space<vmem_shared>> -> memref<10000x128xf32, #tpu.memory_space<vmem_shared>>
      tpu.wait_indirect_dma semaphore(%run_scoped3A : memref<!tpu.dma_semaphore, #tpu.memory_space<semaphore_mem>>) src(%dma_wait3A_70 : memref<10000x128xf32, #tpu.memory_space<vmem_shared>>) dst(%arg11 : memref<80x128xf32, #tpu.memory_space<vmem>>)
      tpu.yield
    }) : () -> ()
    "tpu.region"() ({
      %run_scoped3A = tpu.sem_alloc : memref<!tpu.dma_semaphore, #tpu.memory_space<semaphore_mem>>
      %dma_start3A_65 = arith.constant 0 : i32
      %dma_start3A_66 = tpu.memref_slice %arg8[%arg0, %add3A_60, %dma_start3A_65] : memref<2x10000x128xf32, #tpu.memory_space<hbm>> -> memref<1x80x128xf32, #tpu.memory_space<hbm>>
      %dma_start3A_67 = tpu.memref_squeeze %dma_start3A_66 : memref<1x80x128xf32, #tpu.memory_space<hbm>> -> memref<80x128xf32, #tpu.memory_space<hbm>>
      %dma_start3A_68 = arith.constant 0 : i32
      %dma_start3A_69 = tpu.memref_slice %arg8[%arg0, %add3A_60, %dma_start3A_68] : memref<2x10000x128xf32, #tpu.memory_space<hbm>> -> memref<1x80x128xf32, #tpu.memory_space<hbm>>
      %dma_start3A_70 = tpu.memref_squeeze %dma_start3A_69 : memref<1x80x128xf32, #tpu.memory_space<hbm>> -> memref<80x128xf32, #tpu.memory_space<hbm>>
      tpu.enqueue_dma source(%arg11 : memref<80x128xf32, #tpu.memory_space<vmem>>) target(%dma_start3A_70 : memref<80x128xf32, #tpu.memory_space<hbm>>) target_semaphore(%run_scoped3A : memref<!tpu.dma_semaphore, #tpu.memory_space<semaphore_mem>>)
      %dma_wait3A_71 = arith.constant 0 : i32
      %dma_wait3A_72 = tpu.memref_slice %arg8[%arg0, %add3A_60, %dma_wait3A_71] : memref<2x10000x128xf32, #tpu.memory_space<hbm>> -> memref<1x80x128xf32, #tpu.memory_space<hbm>>
      %dma_wait3A_73 = tpu.memref_squeeze %dma_wait3A_72 : memref<1x80x128xf32, #tpu.memory_space<hbm>> -> memref<80x128xf32, #tpu.memory_space<hbm>>
      %dma_wait3A_74 = arith.constant 0 : i32
      %dma_wait3A_75 = tpu.memref_slice %arg8[%arg0, %add3A_60, %dma_wait3A_74] : memref<2x10000x128xf32, #tpu.memory_space<hbm>> -> memref<1x80x128xf32, #tpu.memory_space<hbm>>
      %dma_wait3A_76 = tpu.memref_squeeze %dma_wait3A_75 : memref<1x80x128xf32, #tpu.memory_space<hbm>> -> memref<80x128xf32, #tpu.memory_space<hbm>>
      tpu.wait_dma2 semaphore(%run_scoped3A : memref<!tpu.dma_semaphore, #tpu.memory_space<semaphore_mem>>) src(%arg11 : memref<80x128xf32, #tpu.memory_space<vmem>>) dst(%dma_wait3A_76 : memref<80x128xf32, #tpu.memory_space<hbm>>)
      tpu.yield
    }) : () -> ()
    %add3A_61 = arith.constant 480 : i32
    %add3A_62 = arith.addi %mul3A_0, %add3A_61 : i32
    "tpu.region"() ({
      %run_scoped3A = tpu.sem_alloc : memref<!tpu.dma_semaphore, #tpu.memory_space<semaphore_mem>>
      %dma_start3A_65 = tpu.memref_slice %arg7[%add3A_62] : memref<10240xi32, #tpu.memory_space<hbm>> -> memref<80xi32, #tpu.memory_space<hbm>>
      %dma_start3A_66 = tpu.memref_slice %arg7[%add3A_62] : memref<10240xi32, #tpu.memory_space<hbm>> -> memref<80xi32, #tpu.memory_space<hbm>>
      tpu.enqueue_dma source(%dma_start3A_66 : memref<80xi32, #tpu.memory_space<hbm>>) target(%arg9 : memref<80xi32, #tpu.memory_space<vmem>>) target_semaphore(%run_scoped3A : memref<!tpu.dma_semaphore, #tpu.memory_space<semaphore_mem>>)
      %dma_wait3A_67 = tpu.memref_slice %arg7[%add3A_62] : memref<10240xi32, #tpu.memory_space<hbm>> -> memref<80xi32, #tpu.memory_space<hbm>>
      %dma_wait3A_68 = tpu.memref_slice %arg7[%add3A_62] : memref<10240xi32, #tpu.memory_space<hbm>> -> memref<80xi32, #tpu.memory_space<hbm>>
      tpu.wait_dma2 semaphore(%run_scoped3A : memref<!tpu.dma_semaphore, #tpu.memory_space<semaphore_mem>>) src(%dma_wait3A_68 : memref<80xi32, #tpu.memory_space<hbm>>) dst(%arg9 : memref<80xi32, #tpu.memory_space<vmem>>)
      tpu.yield
    }) : () -> ()
    "tpu.region"() ({
      %run_scoped3A = tpu.sem_alloc : memref<!tpu.dma_semaphore, #tpu.memory_space<semaphore_mem>>
      %dma_start3A_65 = arith.constant 0 : i32
      %dma_start3A_66 = arith.constant 0 : i32
      %dma_start3A_67 = tpu.memref_slice %arg16[%dma_start3A_65, %dma_start3A_66] : memref<10000x128xf32, #tpu.memory_space<vmem_shared>> -> memref<10000x128xf32, #tpu.memory_space<vmem_shared>>
      tpu.enqueue_indirect_dma source(%dma_start3A_67 : memref<10000x128xf32, #tpu.memory_space<vmem_shared>>) target(%arg11 : memref<80x128xf32, #tpu.memory_space<vmem>>) offsets(%arg9 : memref<80xi32, #tpu.memory_space<vmem>>) semaphore(%run_scoped3A : memref<!tpu.dma_semaphore, #tpu.memory_space<semaphore_mem>>)
      %dma_wait3A_68 = arith.constant 0 : i32
      %dma_wait3A_69 = arith.constant 0 : i32
      %dma_wait3A_70 = tpu.memref_slice %arg16[%dma_wait3A_68, %dma_wait3A_69] : memref<10000x128xf32, #tpu.memory_space<vmem_shared>> -> memref<10000x128xf32, #tpu.memory_space<vmem_shared>>
      tpu.wait_indirect_dma semaphore(%run_scoped3A : memref<!tpu.dma_semaphore, #tpu.memory_space<semaphore_mem>>) src(%dma_wait3A_70 : memref<10000x128xf32, #tpu.memory_space<vmem_shared>>) dst(%arg11 : memref<80x128xf32, #tpu.memory_space<vmem>>)
      tpu.yield
    }) : () -> ()
    "tpu.region"() ({
      %run_scoped3A = tpu.sem_alloc : memref<!tpu.dma_semaphore, #tpu.memory_space<semaphore_mem>>
      %dma_start3A_65 = arith.constant 0 : i32
      %dma_start3A_66 = tpu.memref_slice %arg8[%arg0, %add3A_62, %dma_start3A_65] : memref<2x10000x128xf32, #tpu.memory_space<hbm>> -> memref<1x80x128xf32, #tpu.memory_space<hbm>>
      %dma_start3A_67 = tpu.memref_squeeze %dma_start3A_66 : memref<1x80x128xf32, #tpu.memory_space<hbm>> -> memref<80x128xf32, #tpu.memory_space<hbm>>
      %dma_start3A_68 = arith.constant 0 : i32
      %dma_start3A_69 = tpu.memref_slice %arg8[%arg0, %add3A_62, %dma_start3A_68] : memref<2x10000x128xf32, #tpu.memory_space<hbm>> -> memref<1x80x128xf32, #tpu.memory_space<hbm>>
      %dma_start3A_70 = tpu.memref_squeeze %dma_start3A_69 : memref<1x80x128xf32, #tpu.memory_space<hbm>> -> memref<80x128xf32, #tpu.memory_space<hbm>>
      tpu.enqueue_dma source(%arg11 : memref<80x128xf32, #tpu.memory_space<vmem>>) target(%dma_start3A_70 : memref<80x128xf32, #tpu.memory_space<hbm>>) target_semaphore(%run_scoped3A : memref<!tpu.dma_semaphore, #tpu.memory_space<semaphore_mem>>)
      %dma_wait3A_71 = arith.constant 0 : i32
      %dma_wait3A_72 = tpu.memref_slice %arg8[%arg0, %add3A_62, %dma_wait3A_71] : memref<2x10000x128xf32, #tpu.memory_space<hbm>> -> memref<1x80x128xf32, #tpu.memory_space<hbm>>
      %dma_wait3A_73 = tpu.memref_squeeze %dma_wait3A_72 : memref<1x80x128xf32, #tpu.memory_space<hbm>> -> memref<80x128xf32, #tpu.memory_space<hbm>>
      %dma_wait3A_74 = arith.constant 0 : i32
      %dma_wait3A_75 = tpu.memref_slice %arg8[%arg0, %add3A_62, %dma_wait3A_74] : memref<2x10000x128xf32, #tpu.memory_space<hbm>> -> memref<1x80x128xf32, #tpu.memory_space<hbm>>
      %dma_wait3A_76 = tpu.memref_squeeze %dma_wait3A_75 : memref<1x80x128xf32, #tpu.memory_space<hbm>> -> memref<80x128xf32, #tpu.memory_space<hbm>>
      tpu.wait_dma2 semaphore(%run_scoped3A : memref<!tpu.dma_semaphore, #tpu.memory_space<semaphore_mem>>) src(%arg11 : memref<80x128xf32, #tpu.memory_space<vmem>>) dst(%dma_wait3A_76 : memref<80x128xf32, #tpu.memory_space<hbm>>)
      tpu.yield
    }) : () -> ()
    %add3A_63 = arith.constant 560 : i32
    %add3A_64 = arith.addi %mul3A_0, %add3A_63 : i32
    "tpu.region"() ({
      %run_scoped3A = tpu.sem_alloc : memref<!tpu.dma_semaphore, #tpu.memory_space<semaphore_mem>>
      %dma_start3A_65 = tpu.memref_slice %arg7[%add3A_64] : memref<10240xi32, #tpu.memory_space<hbm>> -> memref<80xi32, #tpu.memory_space<hbm>>
      %dma_start3A_66 = tpu.memref_slice %arg7[%add3A_64] : memref<10240xi32, #tpu.memory_space<hbm>> -> memref<80xi32, #tpu.memory_space<hbm>>
      tpu.enqueue_dma source(%dma_start3A_66 : memref<80xi32, #tpu.memory_space<hbm>>) target(%arg9 : memref<80xi32, #tpu.memory_space<vmem>>) target_semaphore(%run_scoped3A : memref<!tpu.dma_semaphore, #tpu.memory_space<semaphore_mem>>)
      %dma_wait3A_67 = tpu.memref_slice %arg7[%add3A_64] : memref<10240xi32, #tpu.memory_space<hbm>> -> memref<80xi32, #tpu.memory_space<hbm>>
      %dma_wait3A_68 = tpu.memref_slice %arg7[%add3A_64] : memref<10240xi32, #tpu.memory_space<hbm>> -> memref<80xi32, #tpu.memory_space<hbm>>
      tpu.wait_dma2 semaphore(%run_scoped3A : memref<!tpu.dma_semaphore, #tpu.memory_space<semaphore_mem>>) src(%dma_wait3A_68 : memref<80xi32, #tpu.memory_space<hbm>>) dst(%arg9 : memref<80xi32, #tpu.memory_space<vmem>>)
      tpu.yield
    }) : () -> ()
    "tpu.region"() ({
      %run_scoped3A = tpu.sem_alloc : memref<!tpu.dma_semaphore, #tpu.memory_space<semaphore_mem>>
      %dma_start3A_65 = arith.constant 0 : i32
      %dma_start3A_66 = arith.constant 0 : i32
      %dma_start3A_67 = tpu.memref_slice %arg16[%dma_start3A_65, %dma_start3A_66] : memref<10000x128xf32, #tpu.memory_space<vmem_shared>> -> memref<10000x128xf32, #tpu.memory_space<vmem_shared>>
      tpu.enqueue_indirect_dma source(%dma_start3A_67 : memref<10000x128xf32, #tpu.memory_space<vmem_shared>>) target(%arg11 : memref<80x128xf32, #tpu.memory_space<vmem>>) offsets(%arg9 : memref<80xi32, #tpu.memory_space<vmem>>) semaphore(%run_scoped3A : memref<!tpu.dma_semaphore, #tpu.memory_space<semaphore_mem>>)
      %dma_wait3A_68 = arith.constant 0 : i32
      %dma_wait3A_69 = arith.constant 0 : i32
      %dma_wait3A_70 = tpu.memref_slice %arg16[%dma_wait3A_68, %dma_wait3A_69] : memref<10000x128xf32, #tpu.memory_space<vmem_shared>> -> memref<10000x128xf32, #tpu.memory_space<vmem_shared>>
      tpu.wait_indirect_dma semaphore(%run_scoped3A : memref<!tpu.dma_semaphore, #tpu.memory_space<semaphore_mem>>) src(%dma_wait3A_70 : memref<10000x128xf32, #tpu.memory_space<vmem_shared>>) dst(%arg11 : memref<80x128xf32, #tpu.memory_space<vmem>>)
      tpu.yield
    }) : () -> ()
    "tpu.region"() ({
      %run_scoped3A = tpu.sem_alloc : memref<!tpu.dma_semaphore, #tpu.memory_space<semaphore_mem>>
      %dma_start3A_65 = arith.constant 0 : i32
      %dma_start3A_66 = tpu.memref_slice %arg8[%arg0, %add3A_64, %dma_start3A_65] : memref<2x10000x128xf32, #tpu.memory_space<hbm>> -> memref<1x80x128xf32, #tpu.memory_space<hbm>>
      %dma_start3A_67 = tpu.memref_squeeze %dma_start3A_66 : memref<1x80x128xf32, #tpu.memory_space<hbm>> -> memref<80x128xf32, #tpu.memory_space<hbm>>
      %dma_start3A_68 = arith.constant 0 : i32
      %dma_start3A_69 = tpu.memref_slice %arg8[%arg0, %add3A_64, %dma_start3A_68] : memref<2x10000x128xf32, #tpu.memory_space<hbm>> -> memref<1x80x128xf32, #tpu.memory_space<hbm>>
      %dma_start3A_70 = tpu.memref_squeeze %dma_start3A_69 : memref<1x80x128xf32, #tpu.memory_space<hbm>> -> memref<80x128xf32, #tpu.memory_space<hbm>>
      tpu.enqueue_dma source(%arg11 : memref<80x128xf32, #tpu.memory_space<vmem>>) target(%dma_start3A_70 : memref<80x128xf32, #tpu.memory_space<hbm>>) target_semaphore(%run_scoped3A : memref<!tpu.dma_semaphore, #tpu.memory_space<semaphore_mem>>)
      %dma_wait3A_71 = arith.constant 0 : i32
      %dma_wait3A_72 = tpu.memref_slice %arg8[%arg0, %add3A_64, %dma_wait3A_71] : memref<2x10000x128xf32, #tpu.memory_space<hbm>> -> memref<1x80x128xf32, #tpu.memory_space<hbm>>
      %dma_wait3A_73 = tpu.memref_squeeze %dma_wait3A_72 : memref<1x80x128xf32, #tpu.memory_space<hbm>> -> memref<80x128xf32, #tpu.memory_space<hbm>>
      %dma_wait3A_74 = arith.constant 0 : i32
      %dma_wait3A_75 = tpu.memref_slice %arg8[%arg0, %add3A_64, %dma_wait3A_74] : memref<2x10000x128xf32, #tpu.memory_space<hbm>> -> memref<1x80x128xf32, #tpu.memory_space<hbm>>
      %dma_wait3A_76 = tpu.memref_squeeze %dma_wait3A_75 : memref<1x80x128xf32, #tpu.memory_space<hbm>> -> memref<80x128xf32, #tpu.memory_space<hbm>>
      tpu.wait_dma2 semaphore(%run_scoped3A : memref<!tpu.dma_semaphore, #tpu.memory_space<semaphore_mem>>) src(%arg11 : memref<80x128xf32, #tpu.memory_space<vmem>>) dst(%dma_wait3A_76 : memref<80x128xf32, #tpu.memory_space<hbm>>)
      tpu.yield
    }) : () -> ()
    return
  }
}

module attributes {stable_mosaic.version = 14 : i64} {
  func.func @_mw_body(%arg0: i32, %arg1: memref<4000x16xf32, #tpu.memory_space<vmem>>, %arg2: memref<16x128xf32, #tpu.memory_space<vmem>>, %arg3: memref<4000x128xf32, #tpu.memory_space<vmem>>) attributes {dimension_semantics = [#tpu.dimension_semantics<arbitrary>], iteration_bounds = array<i64: 160>, scalar_prefetch = 0 : i64, scratch_operands = 0 : i64, tpu.core_type = #tpu.core_type<tc>, window_params = [{transform_indices = @transform_0, window_bounds = array<i64: 4000, 16>}, {pipeline_mode = #tpu.pipeline_mode<synchronous>, transform_indices = @transform_1, window_bounds = array<i64: 16, 128>}, {transform_indices = @transform_2, window_bounds = array<i64: 4000, 128>}]} {
    %get3A = arith.constant 0 : index
    %get3A_0 = arith.constant 0 : index
    %get3A_1 = vector.load %arg1[%get3A, %get3A_0] : memref<4000x16xf32, #tpu.memory_space<vmem>>, vector<4000x16xf32>
    %convert_element_type3A = arith.truncf %get3A_1 : vector<4000x16xf32> to vector<4000x16xbf16>
    %convert_element_type3A_2 = arith.extf %convert_element_type3A : vector<4000x16xbf16> to vector<4000x16xf32>
    %get3A_3 = arith.constant 0 : index
    %get3A_4 = arith.constant 0 : index
    %get3A_5 = vector.load %arg2[%get3A_3, %get3A_4] : memref<16x128xf32, #tpu.memory_space<vmem>>, vector<16x128xf32>
    %convert_element_type3A_6 = arith.truncf %get3A_5 : vector<16x128xf32> to vector<16x128xbf16>
    %convert_element_type3A_7 = arith.extf %convert_element_type3A_6 : vector<16x128xbf16> to vector<16x128xf32>
    %slice3A = vector.extract_strided_slice %convert_element_type3A_2 {offsets = [0, 0], sizes = [4000, 1], strides = [1, 1]} : vector<4000x16xf32> to vector<4000x1xf32>
    %slice3A_8 = vector.extract_strided_slice %convert_element_type3A_7 {offsets = [0, 0], sizes = [1, 128], strides = [1, 1]} : vector<16x128xf32> to vector<1x128xf32>
    %mul3A = vector.broadcast %slice3A : vector<4000x1xf32> to vector<4000x128xf32>
    %mul3A_9 = vector.broadcast %slice3A_8 : vector<1x128xf32> to vector<4000x128xf32>
    %mul3A_10 = arith.mulf %mul3A, %mul3A_9 : vector<4000x128xf32>
    %slice3A_11 = vector.extract_strided_slice %convert_element_type3A_2 {offsets = [0, 1], sizes = [4000, 1], strides = [1, 1]} : vector<4000x16xf32> to vector<4000x1xf32>
    %slice3A_12 = vector.extract_strided_slice %convert_element_type3A_7 {offsets = [1, 0], sizes = [1, 128], strides = [1, 1]} : vector<16x128xf32> to vector<1x128xf32>
    %mul3A_13 = vector.broadcast %slice3A_11 : vector<4000x1xf32> to vector<4000x128xf32>
    %mul3A_14 = vector.broadcast %slice3A_12 : vector<1x128xf32> to vector<4000x128xf32>
    %mul3A_15 = arith.mulf %mul3A_13, %mul3A_14 : vector<4000x128xf32>
    %add3A = arith.addf %mul3A_10, %mul3A_15 : vector<4000x128xf32>
    %slice3A_16 = vector.extract_strided_slice %convert_element_type3A_2 {offsets = [0, 2], sizes = [4000, 1], strides = [1, 1]} : vector<4000x16xf32> to vector<4000x1xf32>
    %slice3A_17 = vector.extract_strided_slice %convert_element_type3A_7 {offsets = [2, 0], sizes = [1, 128], strides = [1, 1]} : vector<16x128xf32> to vector<1x128xf32>
    %mul3A_18 = vector.broadcast %slice3A_16 : vector<4000x1xf32> to vector<4000x128xf32>
    %mul3A_19 = vector.broadcast %slice3A_17 : vector<1x128xf32> to vector<4000x128xf32>
    %mul3A_20 = arith.mulf %mul3A_18, %mul3A_19 : vector<4000x128xf32>
    %add3A_21 = arith.addf %add3A, %mul3A_20 : vector<4000x128xf32>
    %slice3A_22 = vector.extract_strided_slice %convert_element_type3A_2 {offsets = [0, 3], sizes = [4000, 1], strides = [1, 1]} : vector<4000x16xf32> to vector<4000x1xf32>
    %slice3A_23 = vector.extract_strided_slice %convert_element_type3A_7 {offsets = [3, 0], sizes = [1, 128], strides = [1, 1]} : vector<16x128xf32> to vector<1x128xf32>
    %mul3A_24 = vector.broadcast %slice3A_22 : vector<4000x1xf32> to vector<4000x128xf32>
    %mul3A_25 = vector.broadcast %slice3A_23 : vector<1x128xf32> to vector<4000x128xf32>
    %mul3A_26 = arith.mulf %mul3A_24, %mul3A_25 : vector<4000x128xf32>
    %add3A_27 = arith.addf %add3A_21, %mul3A_26 : vector<4000x128xf32>
    %slice3A_28 = vector.extract_strided_slice %convert_element_type3A_2 {offsets = [0, 4], sizes = [4000, 1], strides = [1, 1]} : vector<4000x16xf32> to vector<4000x1xf32>
    %slice3A_29 = vector.extract_strided_slice %convert_element_type3A_7 {offsets = [4, 0], sizes = [1, 128], strides = [1, 1]} : vector<16x128xf32> to vector<1x128xf32>
    %mul3A_30 = vector.broadcast %slice3A_28 : vector<4000x1xf32> to vector<4000x128xf32>
    %mul3A_31 = vector.broadcast %slice3A_29 : vector<1x128xf32> to vector<4000x128xf32>
    %mul3A_32 = arith.mulf %mul3A_30, %mul3A_31 : vector<4000x128xf32>
    %add3A_33 = arith.addf %add3A_27, %mul3A_32 : vector<4000x128xf32>
    %slice3A_34 = vector.extract_strided_slice %convert_element_type3A_2 {offsets = [0, 5], sizes = [4000, 1], strides = [1, 1]} : vector<4000x16xf32> to vector<4000x1xf32>
    %slice3A_35 = vector.extract_strided_slice %convert_element_type3A_7 {offsets = [5, 0], sizes = [1, 128], strides = [1, 1]} : vector<16x128xf32> to vector<1x128xf32>
    %mul3A_36 = vector.broadcast %slice3A_34 : vector<4000x1xf32> to vector<4000x128xf32>
    %mul3A_37 = vector.broadcast %slice3A_35 : vector<1x128xf32> to vector<4000x128xf32>
    %mul3A_38 = arith.mulf %mul3A_36, %mul3A_37 : vector<4000x128xf32>
    %add3A_39 = arith.addf %add3A_33, %mul3A_38 : vector<4000x128xf32>
    %slice3A_40 = vector.extract_strided_slice %convert_element_type3A_2 {offsets = [0, 6], sizes = [4000, 1], strides = [1, 1]} : vector<4000x16xf32> to vector<4000x1xf32>
    %slice3A_41 = vector.extract_strided_slice %convert_element_type3A_7 {offsets = [6, 0], sizes = [1, 128], strides = [1, 1]} : vector<16x128xf32> to vector<1x128xf32>
    %mul3A_42 = vector.broadcast %slice3A_40 : vector<4000x1xf32> to vector<4000x128xf32>
    %mul3A_43 = vector.broadcast %slice3A_41 : vector<1x128xf32> to vector<4000x128xf32>
    %mul3A_44 = arith.mulf %mul3A_42, %mul3A_43 : vector<4000x128xf32>
    %add3A_45 = arith.addf %add3A_39, %mul3A_44 : vector<4000x128xf32>
    %slice3A_46 = vector.extract_strided_slice %convert_element_type3A_2 {offsets = [0, 7], sizes = [4000, 1], strides = [1, 1]} : vector<4000x16xf32> to vector<4000x1xf32>
    %slice3A_47 = vector.extract_strided_slice %convert_element_type3A_7 {offsets = [7, 0], sizes = [1, 128], strides = [1, 1]} : vector<16x128xf32> to vector<1x128xf32>
    %mul3A_48 = vector.broadcast %slice3A_46 : vector<4000x1xf32> to vector<4000x128xf32>
    %mul3A_49 = vector.broadcast %slice3A_47 : vector<1x128xf32> to vector<4000x128xf32>
    %mul3A_50 = arith.mulf %mul3A_48, %mul3A_49 : vector<4000x128xf32>
    %add3A_51 = arith.addf %add3A_45, %mul3A_50 : vector<4000x128xf32>
    %slice3A_52 = vector.extract_strided_slice %convert_element_type3A_2 {offsets = [0, 8], sizes = [4000, 1], strides = [1, 1]} : vector<4000x16xf32> to vector<4000x1xf32>
    %slice3A_53 = vector.extract_strided_slice %convert_element_type3A_7 {offsets = [8, 0], sizes = [1, 128], strides = [1, 1]} : vector<16x128xf32> to vector<1x128xf32>
    %mul3A_54 = vector.broadcast %slice3A_52 : vector<4000x1xf32> to vector<4000x128xf32>
    %mul3A_55 = vector.broadcast %slice3A_53 : vector<1x128xf32> to vector<4000x128xf32>
    %mul3A_56 = arith.mulf %mul3A_54, %mul3A_55 : vector<4000x128xf32>
    %add3A_57 = arith.addf %add3A_51, %mul3A_56 : vector<4000x128xf32>
    %slice3A_58 = vector.extract_strided_slice %convert_element_type3A_2 {offsets = [0, 9], sizes = [4000, 1], strides = [1, 1]} : vector<4000x16xf32> to vector<4000x1xf32>
    %slice3A_59 = vector.extract_strided_slice %convert_element_type3A_7 {offsets = [9, 0], sizes = [1, 128], strides = [1, 1]} : vector<16x128xf32> to vector<1x128xf32>
    %mul3A_60 = vector.broadcast %slice3A_58 : vector<4000x1xf32> to vector<4000x128xf32>
    %mul3A_61 = vector.broadcast %slice3A_59 : vector<1x128xf32> to vector<4000x128xf32>
    %mul3A_62 = arith.mulf %mul3A_60, %mul3A_61 : vector<4000x128xf32>
    %add3A_63 = arith.addf %add3A_57, %mul3A_62 : vector<4000x128xf32>
    %slice3A_64 = vector.extract_strided_slice %convert_element_type3A_2 {offsets = [0, 10], sizes = [4000, 1], strides = [1, 1]} : vector<4000x16xf32> to vector<4000x1xf32>
    %slice3A_65 = vector.extract_strided_slice %convert_element_type3A_7 {offsets = [10, 0], sizes = [1, 128], strides = [1, 1]} : vector<16x128xf32> to vector<1x128xf32>
    %mul3A_66 = vector.broadcast %slice3A_64 : vector<4000x1xf32> to vector<4000x128xf32>
    %mul3A_67 = vector.broadcast %slice3A_65 : vector<1x128xf32> to vector<4000x128xf32>
    %mul3A_68 = arith.mulf %mul3A_66, %mul3A_67 : vector<4000x128xf32>
    %add3A_69 = arith.addf %add3A_63, %mul3A_68 : vector<4000x128xf32>
    %slice3A_70 = vector.extract_strided_slice %convert_element_type3A_2 {offsets = [0, 11], sizes = [4000, 1], strides = [1, 1]} : vector<4000x16xf32> to vector<4000x1xf32>
    %slice3A_71 = vector.extract_strided_slice %convert_element_type3A_7 {offsets = [11, 0], sizes = [1, 128], strides = [1, 1]} : vector<16x128xf32> to vector<1x128xf32>
    %mul3A_72 = vector.broadcast %slice3A_70 : vector<4000x1xf32> to vector<4000x128xf32>
    %mul3A_73 = vector.broadcast %slice3A_71 : vector<1x128xf32> to vector<4000x128xf32>
    %mul3A_74 = arith.mulf %mul3A_72, %mul3A_73 : vector<4000x128xf32>
    %add3A_75 = arith.addf %add3A_69, %mul3A_74 : vector<4000x128xf32>
    %slice3A_76 = vector.extract_strided_slice %convert_element_type3A_2 {offsets = [0, 12], sizes = [4000, 1], strides = [1, 1]} : vector<4000x16xf32> to vector<4000x1xf32>
    %slice3A_77 = vector.extract_strided_slice %convert_element_type3A_7 {offsets = [12, 0], sizes = [1, 128], strides = [1, 1]} : vector<16x128xf32> to vector<1x128xf32>
    %mul3A_78 = vector.broadcast %slice3A_76 : vector<4000x1xf32> to vector<4000x128xf32>
    %mul3A_79 = vector.broadcast %slice3A_77 : vector<1x128xf32> to vector<4000x128xf32>
    %mul3A_80 = arith.mulf %mul3A_78, %mul3A_79 : vector<4000x128xf32>
    %add3A_81 = arith.addf %add3A_75, %mul3A_80 : vector<4000x128xf32>
    %slice3A_82 = vector.extract_strided_slice %convert_element_type3A_2 {offsets = [0, 13], sizes = [4000, 1], strides = [1, 1]} : vector<4000x16xf32> to vector<4000x1xf32>
    %slice3A_83 = vector.extract_strided_slice %convert_element_type3A_7 {offsets = [13, 0], sizes = [1, 128], strides = [1, 1]} : vector<16x128xf32> to vector<1x128xf32>
    %mul3A_84 = vector.broadcast %slice3A_82 : vector<4000x1xf32> to vector<4000x128xf32>
    %mul3A_85 = vector.broadcast %slice3A_83 : vector<1x128xf32> to vector<4000x128xf32>
    %mul3A_86 = arith.mulf %mul3A_84, %mul3A_85 : vector<4000x128xf32>
    %add3A_87 = arith.addf %add3A_81, %mul3A_86 : vector<4000x128xf32>
    %slice3A_88 = vector.extract_strided_slice %convert_element_type3A_2 {offsets = [0, 14], sizes = [4000, 1], strides = [1, 1]} : vector<4000x16xf32> to vector<4000x1xf32>
    %slice3A_89 = vector.extract_strided_slice %convert_element_type3A_7 {offsets = [14, 0], sizes = [1, 128], strides = [1, 1]} : vector<16x128xf32> to vector<1x128xf32>
    %mul3A_90 = vector.broadcast %slice3A_88 : vector<4000x1xf32> to vector<4000x128xf32>
    %mul3A_91 = vector.broadcast %slice3A_89 : vector<1x128xf32> to vector<4000x128xf32>
    %mul3A_92 = arith.mulf %mul3A_90, %mul3A_91 : vector<4000x128xf32>
    %add3A_93 = arith.addf %add3A_87, %mul3A_92 : vector<4000x128xf32>
    %slice3A_94 = vector.extract_strided_slice %convert_element_type3A_2 {offsets = [0, 15], sizes = [4000, 1], strides = [1, 1]} : vector<4000x16xf32> to vector<4000x1xf32>
    %slice3A_95 = vector.extract_strided_slice %convert_element_type3A_7 {offsets = [15, 0], sizes = [1, 128], strides = [1, 1]} : vector<16x128xf32> to vector<1x128xf32>
    %mul3A_96 = vector.broadcast %slice3A_94 : vector<4000x1xf32> to vector<4000x128xf32>
    %mul3A_97 = vector.broadcast %slice3A_95 : vector<1x128xf32> to vector<4000x128xf32>
    %mul3A_98 = arith.mulf %mul3A_96, %mul3A_97 : vector<4000x128xf32>
    %add3A_99 = arith.addf %add3A_93, %mul3A_98 : vector<4000x128xf32>
    %swap3A = arith.constant 0 : index
    %swap3A_100 = arith.constant 0 : index
    %swap3A_101 = vector.load %arg3[%swap3A, %swap3A_100] : memref<4000x128xf32, #tpu.memory_space<vmem>>, vector<4000x128xf32>
    tpu.vector_store %arg3[%swap3A, %swap3A_100], %add3A_99 {strides = array<i32>} : memref<4000x128xf32, #tpu.memory_space<vmem>>, vector<4000x128xf32>,
    return
  }
  func.func @transform_0(%arg0: i32) -> (i32, i32) {
    %c0_i32 = arith.constant 0 : i32
    %c0_i32_0 = arith.constant 0 : i32
    return %arg0, %c0_i32 : i32, i32
  }
  func.func @transform_1(%arg0: i32) -> (i32, i32) {
    %c0_i32 = arith.constant 0 : i32
    %c0_i32_0 = arith.constant 0 : i32
    %c0_i32_1 = arith.constant 0 : i32
    return %c0_i32, %c0_i32_0 : i32, i32
  }
  func.func @transform_2(%arg0: i32) -> (i32, i32) {
    %c0_i32 = arith.constant 0 : i32
    %c0_i32_0 = arith.constant 0 : i32
    return %arg0, %c0_i32 : i32, i32
  }
}

module attributes {stable_mosaic.version = 14 : i64} {
  func.func @_tc_body(%arg0: i32, %arg1: memref<2000x128xf32, #tpu.memory_space<vmem>>, %arg2: memref<2000x128xf32, #tpu.memory_space<vmem>>, %arg3: memref<2x2000x128xf32, #tpu.memory_space<vmem>>, %arg4: memref<2000x1xi32, #tpu.memory_space<vmem>>, %arg5: memref<2000x1xi32, #tpu.memory_space<vmem>>, %arg6: memref<128x128xf32, #tpu.memory_space<vmem>>, %arg7: memref<1x128xf32, #tpu.memory_space<vmem>>, %arg8: memref<1x256xf32, #tpu.memory_space<vmem>>, %arg9: memref<1x1xf32, #tpu.memory_space<vmem>>, %arg10: memref<64x1xf32, #tpu.memory_space<vmem>>, %arg11: memref<64x128xf32, #tpu.memory_space<vmem>>, %arg12: memref<64x128xf32, #tpu.memory_space<vmem>>, %arg13: memref<64x1xf32, #tpu.memory_space<vmem>>, %arg14: memref<64x1xf32, #tpu.memory_space<vmem>>) attributes {dimension_semantics = [#tpu.dimension_semantics<arbitrary>], iteration_bounds = array<i64: 5>, scalar_prefetch = 0 : i64, scratch_operands = 4 : i64, tpu.core_type = #tpu.core_type<tc>, window_params = [{transform_indices = @transform_0, window_bounds = array<i64: 2000, 128>}, {transform_indices = @transform_1, window_bounds = array<i64: 2000, 128>}, {transform_indices = @transform_2, window_bounds = array<i64: 2, 2000, 128>}, {transform_indices = @transform_3, window_bounds = array<i64: 2000, 1>}, {transform_indices = @transform_4, window_bounds = array<i64: 2000, 1>}, {pipeline_mode = #tpu.pipeline_mode<synchronous>, transform_indices = @transform_5, window_bounds = array<i64: 128, 128>}, {pipeline_mode = #tpu.pipeline_mode<synchronous>, transform_indices = @transform_6, window_bounds = array<i64: 1, 128>}, {pipeline_mode = #tpu.pipeline_mode<synchronous>, transform_indices = @transform_7, window_bounds = array<i64: 1, 256>}, {pipeline_mode = #tpu.pipeline_mode<synchronous>, transform_indices = @transform_8, window_bounds = array<i64: 1, 1>}, {pipeline_mode = #tpu.pipeline_mode<synchronous>, transform_indices = @transform_9, window_bounds = array<i64: 64, 1>}]} {
    %eq3A = arith.constant 0 : i32
    %eq3A_0 = arith.cmpi eq, %arg0, %eq3A : i32
    %convert_element_type3A = arith.extui %eq3A_0 : i1 to i32
    %cond3A = arith.constant 0 : i32
    %cond3A_1 = arith.cmpi ne, %convert_element_type3A, %cond3A : i32
    scf.if %cond3A_1 {
      %broadcast_in_dim3A_99 = arith.constant 0.000000e+00 : f32
      %broadcast_in_dim3A_100 = vector.broadcast %broadcast_in_dim3A_99 : f32 to vector<64x128xf32>
      %swap3A_101 = arith.constant 0 : index
      %swap3A_102 = arith.constant 0 : index
      %swap3A_103 = vector.load %arg11[%swap3A_101, %swap3A_102] : memref<64x128xf32, #tpu.memory_space<vmem>>, vector<64x128xf32>
      tpu.vector_store %arg11[%swap3A_101, %swap3A_102], %broadcast_in_dim3A_100 {strides = array<i32>} : memref<64x128xf32, #tpu.memory_space<vmem>>, vector<64x128xf32>,
      %broadcast_in_dim3A_104 = arith.constant 0.000000e+00 : f32
      %broadcast_in_dim3A_105 = vector.broadcast %broadcast_in_dim3A_104 : f32 to vector<64x128xf32>
      %swap3A_106 = arith.constant 0 : index
      %swap3A_107 = arith.constant 0 : index
      %swap3A_108 = vector.load %arg12[%swap3A_106, %swap3A_107] : memref<64x128xf32, #tpu.memory_space<vmem>>, vector<64x128xf32>
      tpu.vector_store %arg12[%swap3A_106, %swap3A_107], %broadcast_in_dim3A_105 {strides = array<i32>} : memref<64x128xf32, #tpu.memory_space<vmem>>, vector<64x128xf32>,
      %broadcast_in_dim3A_109 = arith.constant 0.000000e+00 : f32
      %broadcast_in_dim3A_110 = vector.broadcast %broadcast_in_dim3A_109 : f32 to vector<64x1xf32>
      %swap3A_111 = arith.constant 0 : index
      %swap3A_112 = arith.constant 0 : index
      %swap3A_113 = vector.load %arg13[%swap3A_111, %swap3A_112] : memref<64x1xf32, #tpu.memory_space<vmem>>, vector<64x1xf32>
      tpu.vector_store %arg13[%swap3A_111, %swap3A_112], %broadcast_in_dim3A_110 {strides = array<i32>} : memref<64x1xf32, #tpu.memory_space<vmem>>, vector<64x1xf32>,
      %broadcast_in_dim3A_114 = arith.constant 0.000000e+00 : f32
      %broadcast_in_dim3A_115 = vector.broadcast %broadcast_in_dim3A_114 : f32 to vector<64x1xf32>
      %swap3A_116 = arith.constant 0 : index
      %swap3A_117 = arith.constant 0 : index
      %swap3A_118 = vector.load %arg14[%swap3A_116, %swap3A_117] : memref<64x1xf32, #tpu.memory_space<vmem>>, vector<64x1xf32>
      tpu.vector_store %arg14[%swap3A_116, %swap3A_117], %broadcast_in_dim3A_115 {strides = array<i32>} : memref<64x1xf32, #tpu.memory_space<vmem>>, vector<64x1xf32>,
    } else {
    }
    %get3A = arith.constant 0 : index
    %get3A_2 = arith.constant 0 : index
    %get3A_3 = vector.load %arg6[%get3A, %get3A_2] : memref<128x128xf32, #tpu.memory_space<vmem>>, vector<128x128xf32>
    %convert_element_type3A_4 = arith.truncf %get3A_3 : vector<128x128xf32> to vector<128x128xbf16>
    %convert_element_type3A_5 = arith.extf %convert_element_type3A_4 : vector<128x128xbf16> to vector<128x128xf32>
    %get3A_6 = arith.constant 0 : index
    %get3A_7 = arith.constant 0 : index
    %get3A_8 = vector.load %arg7[%get3A_6, %get3A_7] : memref<1x128xf32, #tpu.memory_space<vmem>>, vector<1x128xf32>
    %iota3A = tpu.iota {dimensions = array<i32: 1>} : vector<1x64xi32>
    %broadcast_in_dim3A = arith.constant 1.000000e+00 : f32
    %broadcast_in_dim3A_9 = vector.broadcast %broadcast_in_dim3A : f32 to vector<2000x1xf32>
    %get3A_10 = arith.constant 0 : index
    %get3A_11 = arith.constant 0 : index
    %get3A_12 = vector.load %arg1[%get3A_10, %get3A_11] : memref<2000x128xf32, #tpu.memory_space<vmem>>, vector<2000x128xf32>
    %get3A_13 = arith.constant 0 : index
    %get3A_14 = arith.constant 0 : index
    %get3A_15 = arith.constant 0 : index
    %get3A_16 = vector.load %arg3[%get3A_13, %get3A_14, %get3A_15] : memref<2x2000x128xf32, #tpu.memory_space<vmem>>, vector<1x2000x128xf32>
    %get3A_17 = vector.shape_cast %get3A_16 : vector<1x2000x128xf32> to vector<2000x128xf32>
    %get3A_18 = arith.constant 0 : index
    %get3A_19 = arith.constant 0 : index
    %get3A_20 = vector.load %arg4[%get3A_18, %get3A_19] : memref<2000x1xi32, #tpu.memory_space<vmem>>, vector<2000x1xi32>
    %add3A = arith.addf %get3A_12, %get3A_17 : vector<2000x128xf32>
    %convert_element_type3A_21 = arith.truncf %add3A : vector<2000x128xf32> to vector<2000x128xbf16>
    %convert_element_type3A_22 = arith.extf %convert_element_type3A_21 : vector<2000x128xbf16> to vector<2000x128xf32>
    %dot_general3A = arith.constant dense<0.000000e+00> : vector<2000x128xf32>
    %dot_general3A_23 = tpu.matmul %convert_element_type3A_22, %convert_element_type3A_5, %dot_general3A {dimension_numbers = #tpu.dot_dimension_numbers<[1], [0], [0], [1], [0, 0, 1, 1], [], []>, precision = #tpu.contract_precision<fp32>, transpose_lhs_hint = false} : vector<2000x128xf32>, vector<128x128xf32>, vector<2000x128xf32> -> vector<2000x128xf32>
    %add3A_24 = vector.broadcast %get3A_8 : vector<1x128xf32> to vector<2000x128xf32>
    %add3A_25 = arith.addf %dot_general3A_23, %add3A_24 : vector<2000x128xf32>
    %max3A = arith.constant 0.000000e+00 : f32
    %max3A_26 = vector.broadcast %max3A : f32 to vector<2000x128xf32>
    %max3A_27 = arith.maximumf %add3A_25, %max3A_26 : vector<2000x128xf32>
    %eq3A_28 = vector.broadcast %get3A_20 : vector<2000x1xi32> to vector<2000x64xi32>
    %eq3A_29 = vector.broadcast %iota3A : vector<1x64xi32> to vector<2000x64xi32>
    %eq3A_30 = arith.cmpi eq, %eq3A_28, %eq3A_29 : vector<2000x64xi32>
    %convert_element_type3A_31 = arith.extui %eq3A_30 : vector<2000x64xi1> to vector<2000x64xi32>
    %convert_element_type3A_32 = arith.sitofp %convert_element_type3A_31 : vector<2000x64xi32> to vector<2000x64xf32>
    %get3A_33 = arith.constant 0 : index
    %get3A_34 = arith.constant 0 : index
    %get3A_35 = vector.load %arg11[%get3A_33, %get3A_34] : memref<64x128xf32, #tpu.memory_space<vmem>>, vector<64x128xf32>
    %dot_general3A_36 = arith.constant dense<0.000000e+00> : vector<64x128xf32>
    %dot_general3A_37 = tpu.matmul %convert_element_type3A_32, %max3A_27, %dot_general3A_36 {dimension_numbers = #tpu.dot_dimension_numbers<[0], [0], [1], [1], [0, 1, 1, 1], [], []>, precision = #tpu.contract_precision<fp32>, transpose_lhs_hint = false} : vector<2000x64xf32>, vector<2000x128xf32>, vector<64x128xf32> -> vector<64x128xf32>
    %add3A_38 = arith.addf %get3A_35, %dot_general3A_37 : vector<64x128xf32>
    %swap3A = arith.constant 0 : index
    %swap3A_39 = arith.constant 0 : index
    %swap3A_40 = vector.load %arg11[%swap3A, %swap3A_39] : memref<64x128xf32, #tpu.memory_space<vmem>>, vector<64x128xf32>
    tpu.vector_store %arg11[%swap3A, %swap3A_39], %add3A_38 {strides = array<i32>} : memref<64x128xf32, #tpu.memory_space<vmem>>, vector<64x128xf32>,
    %get3A_41 = arith.constant 0 : index
    %get3A_42 = arith.constant 0 : index
    %get3A_43 = vector.load %arg13[%get3A_41, %get3A_42] : memref<64x1xf32, #tpu.memory_space<vmem>>, vector<64x1xf32>
    %dot_general3A_44 = arith.constant dense<0.000000e+00> : vector<64x1xf32>
    %dot_general3A_45 = tpu.matmul %convert_element_type3A_32, %broadcast_in_dim3A_9, %dot_general3A_44 {dimension_numbers = #tpu.dot_dimension_numbers<[0], [0], [1], [1], [0, 1, 1, 1], [], []>, precision = #tpu.contract_precision<fp32>, transpose_lhs_hint = false} : vector<2000x64xf32>, vector<2000x1xf32>, vector<64x1xf32> -> vector<64x1xf32>
    %add3A_46 = arith.addf %get3A_43, %dot_general3A_45 : vector<64x1xf32>
    %swap3A_47 = arith.constant 0 : index
    %swap3A_48 = arith.constant 0 : index
    %swap3A_49 = vector.load %arg13[%swap3A_47, %swap3A_48] : memref<64x1xf32, #tpu.memory_space<vmem>>, vector<64x1xf32>
    tpu.vector_store %arg13[%swap3A_47, %swap3A_48], %add3A_46 {strides = array<i32>} : memref<64x1xf32, #tpu.memory_space<vmem>>, vector<64x1xf32>,
    %get3A_50 = arith.constant 0 : index
    %get3A_51 = arith.constant 0 : index
    %get3A_52 = vector.load %arg2[%get3A_50, %get3A_51] : memref<2000x128xf32, #tpu.memory_space<vmem>>, vector<2000x128xf32>
    %get3A_53 = arith.constant 1 : index
    %get3A_54 = arith.constant 0 : index
    %get3A_55 = arith.constant 0 : index
    %get3A_56 = vector.load %arg3[%get3A_53, %get3A_54, %get3A_55] : memref<2x2000x128xf32, #tpu.memory_space<vmem>>, vector<1x2000x128xf32>
    %get3A_57 = vector.shape_cast %get3A_56 : vector<1x2000x128xf32> to vector<2000x128xf32>
    %get3A_58 = arith.constant 0 : index
    %get3A_59 = arith.constant 0 : index
    %get3A_60 = vector.load %arg5[%get3A_58, %get3A_59] : memref<2000x1xi32, #tpu.memory_space<vmem>>, vector<2000x1xi32>
    %add3A_61 = arith.addf %get3A_52, %get3A_57 : vector<2000x128xf32>
    %convert_element_type3A_62 = arith.truncf %add3A_61 : vector<2000x128xf32> to vector<2000x128xbf16>
    %convert_element_type3A_63 = arith.extf %convert_element_type3A_62 : vector<2000x128xbf16> to vector<2000x128xf32>
    %dot_general3A_64 = arith.constant dense<0.000000e+00> : vector<2000x128xf32>
    %dot_general3A_65 = tpu.matmul %convert_element_type3A_63, %convert_element_type3A_5, %dot_general3A_64 {dimension_numbers = #tpu.dot_dimension_numbers<[1], [0], [0], [1], [0, 0, 1, 1], [], []>, precision = #tpu.contract_precision<fp32>, transpose_lhs_hint = false} : vector<2000x128xf32>, vector<128x128xf32>, vector<2000x128xf32> -> vector<2000x128xf32>
    %add3A_66 = vector.broadcast %get3A_8 : vector<1x128xf32> to vector<2000x128xf32>
    %add3A_67 = arith.addf %dot_general3A_65, %add3A_66 : vector<2000x128xf32>
    %max3A_68 = arith.constant 0.000000e+00 : f32
    %max3A_69 = vector.broadcast %max3A_68 : f32 to vector<2000x128xf32>
    %max3A_70 = arith.maximumf %add3A_67, %max3A_69 : vector<2000x128xf32>
    %eq3A_71 = vector.broadcast %get3A_60 : vector<2000x1xi32> to vector<2000x64xi32>
    %eq3A_72 = vector.broadcast %iota3A : vector<1x64xi32> to vector<2000x64xi32>
    %eq3A_73 = arith.cmpi eq, %eq3A_71, %eq3A_72 : vector<2000x64xi32>
    %convert_element_type3A_74 = arith.extui %eq3A_73 : vector<2000x64xi1> to vector<2000x64xi32>
    %convert_element_type3A_75 = arith.sitofp %convert_element_type3A_74 : vector<2000x64xi32> to vector<2000x64xf32>
    %get3A_76 = arith.constant 0 : index
    %get3A_77 = arith.constant 0 : index
    %get3A_78 = vector.load %arg12[%get3A_76, %get3A_77] : memref<64x128xf32, #tpu.memory_space<vmem>>, vector<64x128xf32>
    %dot_general3A_79 = arith.constant dense<0.000000e+00> : vector<64x128xf32>
    %dot_general3A_80 = tpu.matmul %convert_element_type3A_75, %max3A_70, %dot_general3A_79 {dimension_numbers = #tpu.dot_dimension_numbers<[0], [0], [1], [1], [0, 1, 1, 1], [], []>, precision = #tpu.contract_precision<fp32>, transpose_lhs_hint = false} : vector<2000x64xf32>, vector<2000x128xf32>, vector<64x128xf32> -> vector<64x128xf32>
    %add3A_81 = arith.addf %get3A_78, %dot_general3A_80 : vector<64x128xf32>
    %swap3A_82 = arith.constant 0 : index
    %swap3A_83 = arith.constant 0 : index
    %swap3A_84 = vector.load %arg12[%swap3A_82, %swap3A_83] : memref<64x128xf32, #tpu.memory_space<vmem>>, vector<64x128xf32>
    tpu.vector_store %arg12[%swap3A_82, %swap3A_83], %add3A_81 {strides = array<i32>} : memref<64x128xf32, #tpu.memory_space<vmem>>, vector<64x128xf32>,
    %get3A_85 = arith.constant 0 : index
    %get3A_86 = arith.constant 0 : index
    %get3A_87 = vector.load %arg14[%get3A_85, %get3A_86] : memref<64x1xf32, #tpu.memory_space<vmem>>, vector<64x1xf32>
    %dot_general3A_88 = arith.constant dense<0.000000e+00> : vector<64x1xf32>
    %dot_general3A_89 = tpu.matmul %convert_element_type3A_75, %broadcast_in_dim3A_9, %dot_general3A_88 {dimension_numbers = #tpu.dot_dimension_numbers<[0], [0], [1], [1], [0, 1, 1, 1], [], []>, precision = #tpu.contract_precision<fp32>, transpose_lhs_hint = false} : vector<2000x64xf32>, vector<2000x1xf32>, vector<64x1xf32> -> vector<64x1xf32>
    %add3A_90 = arith.addf %get3A_87, %dot_general3A_89 : vector<64x1xf32>
    %swap3A_91 = arith.constant 0 : index
    %swap3A_92 = arith.constant 0 : index
    %swap3A_93 = vector.load %arg14[%swap3A_91, %swap3A_92] : memref<64x1xf32, #tpu.memory_space<vmem>>, vector<64x1xf32>
    tpu.vector_store %arg14[%swap3A_91, %swap3A_92], %add3A_90 {strides = array<i32>} : memref<64x1xf32, #tpu.memory_space<vmem>>, vector<64x1xf32>,
    %eq3A_94 = arith.constant 4 : i32
    %eq3A_95 = arith.cmpi eq, %arg0, %eq3A_94 : i32
    %convert_element_type3A_96 = arith.extui %eq3A_95 : i1 to i32
    %cond3A_97 = arith.constant 0 : i32
    %cond3A_98 = arith.cmpi ne, %convert_element_type3A_96, %cond3A_97 : i32
    scf.if %cond3A_98 {
      %get3A_99 = arith.constant 0 : index
      %get3A_100 = arith.constant 0 : index
      %get3A_101 = vector.load %arg11[%get3A_99, %get3A_100] : memref<64x128xf32, #tpu.memory_space<vmem>>, vector<64x128xf32>
      %get3A_102 = arith.constant 0 : index
      %get3A_103 = arith.constant 0 : index
      %get3A_104 = vector.load %arg13[%get3A_102, %get3A_103] : memref<64x1xf32, #tpu.memory_space<vmem>>, vector<64x1xf32>
      %max3A_105 = arith.constant 1.000000e+00 : f32
      %max3A_106 = vector.broadcast %max3A_105 : f32 to vector<64x1xf32>
      %max3A_107 = arith.maximumf %get3A_104, %max3A_106 : vector<64x1xf32>
      %div3A = vector.broadcast %max3A_107 : vector<64x1xf32> to vector<64x128xf32>
      %div3A_108 = arith.divf %get3A_101, %div3A : vector<64x128xf32>
      %get3A_109 = arith.constant 0 : index
      %get3A_110 = arith.constant 0 : index
      %get3A_111 = vector.load %arg12[%get3A_109, %get3A_110] : memref<64x128xf32, #tpu.memory_space<vmem>>, vector<64x128xf32>
      %get3A_112 = arith.constant 0 : index
      %get3A_113 = arith.constant 0 : index
      %get3A_114 = vector.load %arg14[%get3A_112, %get3A_113] : memref<64x1xf32, #tpu.memory_space<vmem>>, vector<64x1xf32>
      %max3A_115 = arith.constant 1.000000e+00 : f32
      %max3A_116 = vector.broadcast %max3A_115 : f32 to vector<64x1xf32>
      %max3A_117 = arith.maximumf %get3A_114, %max3A_116 : vector<64x1xf32>
      %div3A_118 = vector.broadcast %max3A_117 : vector<64x1xf32> to vector<64x128xf32>
      %div3A_119 = arith.divf %get3A_111, %div3A_118 : vector<64x128xf32>
      %concatenate3A = tpu.concatenate %div3A_108, %div3A_119 in 1 : vector<64x128xf32>, vector<64x128xf32> -> vector<64x256xf32>
      %convert_element_type3A_120 = arith.truncf %concatenate3A : vector<64x256xf32> to vector<64x256xbf16>
      %convert_element_type3A_121 = arith.extf %convert_element_type3A_120 : vector<64x256xbf16> to vector<64x256xf32>
      %get3A_122 = arith.constant 0 : index
      %get3A_123 = arith.constant 0 : index
      %get3A_124 = vector.load %arg8[%get3A_122, %get3A_123] : memref<1x256xf32, #tpu.memory_space<vmem>>, vector<1x256xf32>
      %convert_element_type3A_125 = arith.truncf %get3A_124 : vector<1x256xf32> to vector<1x256xbf16>
      %convert_element_type3A_126 = arith.extf %convert_element_type3A_125 : vector<1x256xbf16> to vector<1x256xf32>
      %mul3A = vector.broadcast %convert_element_type3A_126 : vector<1x256xf32> to vector<64x256xf32>
      %mul3A_127 = arith.mulf %convert_element_type3A_121, %mul3A : vector<64x256xf32>
      %reduce_sum3A = arith.constant dense<0.000000e+00> : vector<64xf32>
      %reduce_sum3A_128 = vector.multi_reduction <add>, %mul3A_127, %reduce_sum3A [1] : vector<64x256xf32> to vector<64xf32>
      %broadcast_in_dim3A_129 = vector.shape_cast %reduce_sum3A_128 : vector<64xf32> to vector<64x1xf32>
      %get3A_130 = arith.constant 0 : index
      %get3A_131 = arith.constant 0 : index
      %get3A_132 = vector.load %arg9[%get3A_130, %get3A_131] : memref<1x1xf32, #tpu.memory_space<vmem>>, vector<1x1xf32>
      %add3A_133 = vector.broadcast %get3A_132 : vector<1x1xf32> to vector<64x1xf32>
      %add3A_134 = arith.addf %broadcast_in_dim3A_129, %add3A_133 : vector<64x1xf32>
      %swap3A_135 = arith.constant 0 : index
      %swap3A_136 = arith.constant 0 : index
      %swap3A_137 = vector.load %arg10[%swap3A_135, %swap3A_136] : memref<64x1xf32, #tpu.memory_space<vmem>>, vector<64x1xf32>
      tpu.vector_store %arg10[%swap3A_135, %swap3A_136], %add3A_134 {strides = array<i32>} : memref<64x1xf32, #tpu.memory_space<vmem>>, vector<64x1xf32>,
    } else {
    }
    return
  }
  func.func @transform_0(%arg0: i32) -> (i32, i32) {
    %c0_i32 = arith.constant 0 : i32
    %c0_i32_0 = arith.constant 0 : i32
    return %arg0, %c0_i32 : i32, i32
  }
  func.func @transform_1(%arg0: i32) -> (i32, i32) {
    %c0_i32 = arith.constant 0 : i32
    %c0_i32_0 = arith.constant 0 : i32
    return %arg0, %c0_i32 : i32, i32
  }
  func.func @transform_2(%arg0: i32) -> (i32, i32, i32) {
    %c0_i32 = arith.constant 0 : i32
    %c0_i32_0 = arith.constant 0 : i32
    %c0_i32_1 = arith.constant 0 : i32
    return %c0_i32, %arg0, %c0_i32_0 : i32, i32, i32
  }
  func.func @transform_3(%arg0: i32) -> (i32, i32) {
    %c0_i32 = arith.constant 0 : i32
    %c0_i32_0 = arith.constant 0 : i32
    return %arg0, %c0_i32 : i32, i32
  }
  func.func @transform_4(%arg0: i32) -> (i32, i32) {
    %c0_i32 = arith.constant 0 : i32
    %c0_i32_0 = arith.constant 0 : i32
    return %arg0, %c0_i32 : i32, i32
  }
  func.func @transform_5(%arg0: i32) -> (i32, i32) {
    %c0_i32 = arith.constant 0 : i32
    %c0_i32_0 = arith.constant 0 : i32
    %c0_i32_1 = arith.constant 0 : i32
    return %c0_i32, %c0_i32_0 : i32, i32
  }
  func.func @transform_6(%arg0: i32) -> (i32, i32) {
    %c0_i32 = arith.constant 0 : i32
    %c0_i32_0 = arith.constant 0 : i32
    %c0_i32_1 = arith.constant 0 : i32
    return %c0_i32, %c0_i32_0 : i32, i32
  }
  func.func @transform_7(%arg0: i32) -> (i32, i32) {
    %c0_i32 = arith.constant 0 : i32
    %c0_i32_0 = arith.constant 0 : i32
    %c0_i32_1 = arith.constant 0 : i32
    return %c0_i32, %c0_i32_0 : i32, i32
  }
  func.func @transform_8(%arg0: i32) -> (i32, i32) {
    %c0_i32 = arith.constant 0 : i32
    %c0_i32_0 = arith.constant 0 : i32
    %c0_i32_1 = arith.constant 0 : i32
    return %c0_i32, %c0_i32_0 : i32, i32
  }
  func.func @transform_9(%arg0: i32) -> (i32, i32) {
    %c0_i32 = arith.constant 0 : i32
    %c0_i32_0 = arith.constant 0 : i32
    %c0_i32_1 = arith.constant 0 : i32
    return %c0_i32, %c0_i32_0 : i32, i32
  }
}

</mosaic_0001>

<sc_bundles>
// kernel: kernel.5.cloned.1.call-start
scs
__scs_entry_jumppad:
0x0: {  	(pc) =	sbr.rel $0x88, $3  }
0x1: {  	(tag) =	ssettag $0x0;
	lr =	simm.s32 $0x1  }
0x2: {  	[smem:$0x3F94] =	sst lr;
	_ =	strace $0xD0000000  }
0x3: {  	_ = 	snop  }
0x4: {  	_ = 	snop  }
0x5: {  	_ = 	snop  }
0x6: {  	_ = 	snop  }
0x7: {  	_ = 	snop  }
__scs_overlays_trampoline_lowered:
0x8: {  	[smem:$0x3FA3] =	sst s0  }
0x9: {  	[smem:$0x3FA4] =	sst s1  }
0xa: {  	[smem:$0x3FA5] =	sst s2  }
0xb: {  	[smem:$0x3FA6] =	sst s3  }
0xc: {  	[smem:$0x3FA7] =	sst s4  }
0xd: {  	[smem:$0x3FA8] =	sst s5  }
0xe: {  	[smem:$0x3FA9] =	sst s6  }
0xf: {  	[smem:$0x3FAA] =	sst s7  }
0x10: {  	[smem:$0x3FAB] =	sst s8  }
0x11: {  	[smem:$0x3FAC] =	sst s9;
	s0 =	simm.s32 @!p0 $0x0  }
0x12: {  	s1 =	sld [smem:$0x3F92];
	s0 =	simm.s32 @p0 $0x1  }
0x13: {  	[smem:$0x3FAD] =	sst s0;
	s0 =	simm.s32 @!p1 $0x0  }
0x14: {  	s2 =	sld [smem:$0x3F91];
	s0 =	simm.s32 @p1 $0x1  }
0x15: {  	[smem:$0x3FAE] =	sst s0;
	s0 =	simm.s32 @!p2 $0x0  }
0x16: {  	s3 =	sld [smem:$0x3FDB];
	s0 =	simm.s32 @p2 $0x1  }
0x17: {  	s4 =	simm.s32 $0x1BF5;
	[smem:$0x3FB0] =	sst s0  }
0x18: {  	s0 =	sld [smem:$0x3F93];
	_ =	swait.ge [sflag:s4], $0x0  }
0x19: {  	s7 =	sld [smem:$0x3F94]  }
0x1a: {  	s8 =	sadd.s32 $0xFFFFE003, lr  }
0x1b: {  	s9 =	sadd.s32 $0xFFFFFEF7, lr;
	s5 =	simm.s32 $0xFFFFFFFF;
	p2 =	slt.u32 s8, $0xFFFFF086  }
0x1c: {  	p1 =	slt.u32 s9, $0xF7A;
	s5 =	simm.s32 @!p2 $0x0  }
0x1d: {  	s5 =	simm.s32 @p1 $0x1;
	p0 =	seq.s32 s7, s2  }
0x1e: {  	s7 =	smul.u32 @!p0 $0xF7A, s2;
	p2 =	seq.s32 @!p0 s5, $0x0  }
0x1f: {  	s9 =	smul.u32 $0xF7A, s1;
	s8 =	simm.s32 @!p0 $0x1BF5;
	p2 =	por !p2, p0  }
0x20: {  	[sflag:s8] =	ssyncset.s32 @!p0 $0xFFFFF086;
	s6 =	sadd.s32 @!p0 s3, s7;
	s7 =	simm.s32 @!p0 $0x108  }
0x21: {  	s3 =	sadd.s32 s3, s9;
	s6 =	sadd.s32 @!p0 $0x88, s6;
	s7 =	simm.s32 @p2 $0x1082  }
0x22: {  	[simem:s7], [sflag:s8] =	dma.local @!p0 [hbm:s6], $0xF7A  }
0x23: {  	s9 =	sor.u32 $0xD0000000, s2;
	s6 =	simm.s32 $0x108;
	_ =	swait.ge @!p0 [sflag:s8], $0x0  }
0x24: {  	s3 =	sadd.s32 $0x88, s3;
	s6 =	simm.s32 @!p1 $0x1082;
	[sflag:s4] =	ssyncset.s32 $0xFFFFF086  }
0x25: {  	[simem:s6], [sflag:s4] =	dma.local [hbm:s3], $0xF7A  }
0x26: {  	[smem:$0x3F94] =	sst s1;
	(tag) =	ssettag s2;
	_ =	strace s9  }
0x27: {  	s1 =	sld [smem:$0x3FA4]  }
0x28: {  	s2 =	sld [smem:$0x3FA5]  }
0x29: {  	s4 =	sld [smem:$0x3FA7]  }
0x2a: {  	p0 =	seq.s32 s5, $0x0;
	s5 =	sld [smem:$0x3FA8]  }
0x2b: {  	s6 =	sld [smem:$0x3FA9]  }
0x2c: {  	s7 =	sld [smem:$0x3FAA]  }
0x2d: {  	s3 =	simm.s32 $0x108;
	s8 =	sld [smem:$0x3FAB]  }
0x2e: {  	s3 =	simm.s32 @!p0 $0x1082;
	s9 =	sld [smem:$0x3FAC]  }
0x2f: {  	lr =	sadd.s32 s0, s3;
	s0 =	sld [smem:$0x3FA3]  }
0x30: {  	s3 =	sld [smem:$0x3FA6]  }
0x31: {  	[smem:$0x3FAF] =	sst s10  }
0x32: {  	s10 =	sld [smem:$0x3FAD];
	_ =	sdelay $0x3  }
0x33: {  	p0 =	seq.s32 s10, $0x1;
	s10 =	sld [smem:$0x3FAF];
	_ =	sdelay $0x3  }
0x34: {  	[smem:$0x3FAF] =	sst s10  }
0x35: {  	s10 =	sld [smem:$0x3FAE];
	_ =	sdelay $0x3  }
0x36: {  	p1 =	seq.s32 s10, $0x1;
	s10 =	sld [smem:$0x3FAF];
	_ =	sdelay $0x3  }
0x37: {  	[smem:$0x3FAF] =	sst s10  }
0x38: {  	s10 =	sld [smem:$0x3FB0]  }
0x39: {  	_ = 	snop;
	(pc) =	sbr.ind lr, $3  }
0x3a: {  	_ = 	snop  }
0x3b: {  	_ = 	snop  }
0x3c: {  	p2 =	seq.s32 s10, $0x1;
	s10 =	sld [smem:$0x3FAF]  }
0x3d: {  	_ =	shalt  }
0x3e: {  	_ =	shalt  }
0x3f: {  	_ =	shalt  }
0x40: {  	_ =	shalt  }
0x41: {  	_ =	shalt  }
0x42: {  	_ =	shalt  }
0x43: {  	_ =	shalt  }
0x44: {  	_ =	shalt  }
0x45: {  	_ =	shalt  }
0x46: {  	_ =	shalt  }
0x47: {  	_ =	shalt  }
0x48: {  	_ =	shalt  }
0x49: {  	_ =	shalt  }
0x4a: {  	_ =	shalt  }
0x4b: {  	_ =	shalt  }
0x4c: {  	_ =	shalt  }
0x4d: {  	_ =	shalt  }
0x4e: {  	_ =	shalt  }
0x4f: {  	_ =	shalt  }
0x50: {  	_ =	shalt  }
0x51: {  	_ =	shalt  }
0x52: {  	_ =	shalt  }
0x53: {  	_ =	shalt  }
0x54: {  	_ =	shalt  }
0x55: {  	_ =	shalt  }
0x56: {  	_ =	shalt  }
0x57: {  	_ =	shalt  }
0x58: {  	_ =	shalt  }
0x59: {  	_ =	shalt  }
0x5a: {  	_ =	shalt  }
0x5b: {  	_ =	shalt  }
0x5c: {  	_ =	shalt  }
0x5d: {  	_ =	shalt  }
0x5e: {  	_ =	shalt  }
0x5f: {  	_ =	shalt  }
0x60: {  	_ =	shalt  }
0x61: {  	_ =	shalt  }
0x62: {  	_ =	shalt  }
0x63: {  	_ =	shalt  }
0x64: {  	_ =	shalt  }
0x65: {  	_ =	shalt  }
0x66: {  	_ =	shalt  }
0x67: {  	_ =	shalt  }
0x68: {  	_ =	shalt  }
0x69: {  	_ =	shalt  }
0x6a: {  	_ =	shalt  }
0x6b: {  	_ =	shalt  }
0x6c: {  	_ =	shalt  }
0x6d: {  	_ =	shalt  }
0x6e: {  	_ =	shalt  }
0x6f: {  	_ =	shalt  }
0x70: {  	_ =	shalt  }
0x71: {  	_ =	shalt  }
0x72: {  	_ =	shalt  }
0x73: {  	_ =	shalt  }
0x74: {  	_ =	shalt  }
0x75: {  	_ =	shalt  }
0x76: {  	_ =	shalt  }
0x77: {  	_ =	shalt  }
0x78: {  	_ =	shalt  }
0x79: {  	_ =	shalt  }
0x7a: {  	_ =	shalt  }
0x7b: {  	_ =	shalt  }
0x7c: {  	_ =	shalt  }
0x7d: {  	_ =	shalt  }
0x7e: {  	_ =	shalt  }
0x7f: {  	_ =	shalt  }
0x80: {  	_ =	shalt  }
0x81: {  	_ =	shalt  }
0x82: {  	_ =	shalt  }
0x83: {  	_ =	shalt  }
0x84: {  	_ =	shalt  }
0x85: {  	_ =	shalt  }
0x86: {  	_ =	shalt  }
0x87: {  	_ =	shalt  }
.Lfunc_end0:
.L_simem_size_0:
called_computation_lowered:
.L_overlay_start_0:
0x88: {  	s2 =	sld [smem:$0x3FD9]  }
0x89: {  	s3 =	sld [smem:$0x3FFE];
	_ =	sdelay $0x1  }
0x8a: {  	s1 =	srdreg.scid  }
0x8b: {  	s0 =	sand.u32 $0x1, s1  }
0x8c: {  	s16 =	sshll.u32 s0, $0xA;
	s2 =	sadd.s32 s3, s2  }
0x8d: {  	s2 =	sadd.s32 s2, s16  }
0x8e: {  	[smem:$0x3FBB] =	sst s2  }
0x8f: {  	_ = 	snop  }
0x90: {  	(tm) =	ssettm $0x1  }
0x91: {  	s17 =	sld [smem:$0x3FFB];
	_ =	sdelay $0x3  }
0x92: {  	_ =	strace s17  }
0x93: {  	s2 =	sld [smem:$0x3FFC];
	_ =	sdelay $0x3  }
0x94: {  	_ =	strace s2  }
0x95: {  	s2 =	sld [smem:$0x3FFD];
	_ =	sdelay $0x3  }
0x96: {  	_ =	strace s2  }
0x97: {  	_ =	strace $0x8FFFFFFF  }
0x98: {  	s18 =	sld [smem:$0x3FDB];
	_ =	sdelay $0x1  }
0x99: {  	s19 =	simm.s32 $_scs_section_size  }
0x9a: {  	s4 =	simm.s32 $_size__tile_overlayer_lowered;
	s5 =	simm.s32 $_tile_overlayer_lowered  }
0x9b: {  	s22 =	simm.s32 $0x1BFF;
	s21 =	sshll.u32 s5, $0x1;
	s2 =	sadd.s32 s19, s18  }
0x9c: {  	s6 =	simm.s32 $0x0;
	s20 =	sshll.u32 s4, $0x1;
	s4 =	sadd.s32 s21, s2  }
0x9d: {  	[timem:s6], [sflag:s22] =	dma.local [hbm:s4], s20  }
0x9e: {  	_ =	swait.ge [sflag:s22], s20  }
0x9f: {  	s3 =	ssub.s32 $0x0, s20;
	[sflag:s22] =	ssyncset.done $0x0  }
0xa0: {  	[sflag:s22] =	ssyncadd.s32 s3;
	_ =	sdelay $0x1  }
0xa1: {  	s23 =	simm.s32 $0x1B8B  }
0xa2: {  	_ =	swait.ge [sflag:s23], $0x1  }
0xa3: {  	[sflag:s23] =	ssyncset.done $0x0  }
0xa4: {  	s25 =	simm.s32 $0x1B8E;
	s24 =	sld [smem:$0x3FFE];
	[sflag:s23] =	ssyncadd.s32 $0xFFFFFFFF  }
0xa5: {  	s26 =	simm.s32 $execute0_lowered;
	[smem:$0x3FD2] =	sst s25  }
0xa6: {  	s4 =	sshll.u32 s26, $0x1;
	_ =	strace $0x80000046;
	[dreg:$0x1] =	wrdreg $0xFFFFFFFF  }
0xa7: {  	s28 =	simm.s32 $_size_execute0_lowered;
	s2 =	sadd.s32 s2, s4;
	[dreg:$0x0] =	wrdreg $0x0  }
0xa8: {  	s4 =	sshll.u32 s28, $0x1;
	[dreg:$0x2] =	wrdreg s2  }
0xa9: {  	[dreg:$0x3] =	wrdreg s4  }
0xaa: {  	[dreg:$0x4] =	wrdreg $0xC0  }
0xab: {  	_ =	task [dreg:s6], $0x5FFFF  }
0xac: {  	[dreg:$0x1] =	wrdreg $0xFFFFFFFF  }
0xad: {  	[dreg:$0x0] =	wrdreg $0x60  }
0xae: {  	[dreg:$0x2] =	wrdreg s24  }
0xaf: {  	[dreg:$0x3] =	wrdreg $0x7A000  }
0xb0: {  	[dreg:$0x4] =	wrdreg $0x9  }
0xb1: {  	_ =	task.clear_ibuf [dreg:s6], $0x5FFFF;
	_ =	strace $0x90000046  }
0xb2: {  	s29 =	simm.s32 $0x9;
	_ =	strace $0x80000048  }
0xb3: {  	_ =	swait.ge [sflag:s29], $0x1  }
0xb4: {  	[sflag:s29] =	ssyncadd.s32 $0xFFFFFFFF  }
0xb5: {  	_ =	strace $0x90000048  }
0xb6: {  	_ =	sfence  }
0xb7: {  	s30 =	sld [smem:$0x0];
	_ =	sdelay $0x2  }
0xb8: {  	s31 =	sshll.u32 s1, $0xD;
	s1 =	sshrl.u32 s1, $0x2  }
0xb9: {  	s3 =	sand.u32 $0x4000, s31;
	s1 =	sadd.s32 s1, s30  }
0xba: {  	s0 =	sor.u32 s3, s0;
	s1 =	sshll.u32 s1, $0x11  }
0xbb: {  	s0 =	sor.u32 s1, s0  }
0xbc: {  	s0 =	sadd.s32 $0x8F2B, s0  }
0xbd: {  	[sflag:s0] =	ssyncadd.remote.s32 $0x1  }
0xbe: {  	_ =	sfence.sel $0xFFFF  }
0xbf: {  	[dreg:$0x0] =	wrdreg $0xFFFFFFFF;
	(pc) =	sbr.abs _section_cstart, $3  }
0xc0: {  	[dreg:$0x1] =	wrdreg $0xFFFFFFFF  }
0xc1: {  	_ =	task.clear_ibuf [dreg:s6], $0x2FFFF;
	_ =	strace $0x9FFFFFFF  }
0xc2: {  	(tm) =	ssettm $0x7FFFFFFF  }
0xc3: {  	_ =	shalt  }
tec
execute0_lowered:
.L_overlay_start_1:
0x0: {  	(tag) =	ssettag $0x1  }
0x1: {  	s0 =	rddreg [dreg:$0x0]  }
0x2: {  	s2 =	rddreg [dreg:$0x1];
	s3 =	simm.s32 $0x0;
	s1 =	srdreg.scid  }
0x3: {  	s22 =	stileid.u32;
	[smem:$0x7FF] =	sst s3  }
0x4: {  	s4 =	sand.u32 $0x1, s1;
	s5 =	smul.u32 $0x270, s22;
	s6 =	sadd.s32 $0x76600, s0  }
0x5: {  	s11 =	smul.u32 $0x4E20, s22;
	_ =	strace $0x80000047;
	s1 =	ssub.s32 $0x2, s4  }
0x6: {  	s10 =	smul.u32 $0x4E200, s4;
	s7 =	sshrl.u32 s1, $0x1;
	s8 =	sshrl.u32 s5, $0x3  }
0x7: {  	s12 =	sadd.s32 $0x50, s5;
	s13 =	sadd.s32 $0xA0, s5;
	s14 =	sadd.s32 $0xF0, s5  }
0x8: {  	s15 =	sadd.s32 $0x140, s5;
	s16 =	sadd.s32 $0x190, s5;
	s17 =	sadd.s32 $0x1E0, s5  }
0x9: {  	s5 =	sadd.s32 $0x230, s5;
	s1 =	ssub.s32 s1, s7;
	s28 =	sadd.s32 s6, s8  }
0xa: {  	s18 =	sshrl.u32 s12, $0x3;
	s19 =	sshrl.u32 s13, $0x3;
	s20 =	sshrl.u32 s14, $0x3  }
0xb: {  	s21 =	sshrl.u32 s15, $0x3;
	s9 =	sshrl.u32 s16, $0x3;
	s23 =	sshrl.u32 s5, $0x3  }
0xc: {  	s12 =	sshll.u32 s12, $0x7;
	s26 =	sshll.u32 s13, $0x7;
	s5 =	sshll.u32 s5, $0x7  }
0xd: {  	s29 =	sadd.s32 s6, s18;
	s7 =	sadd.s32 s6, s19;
	s30 =	sadd.s32 s6, s20  }
0xe: {  	s8 =	sadd.s32 s6, s21;
	s31 =	sadd.s32 s6, s9;
	s19 =	smul.u32 $0x138800, s4  }
0xf: {  	s18 =	sshrl.u32 s17, $0x3;
	s20 =	sadd.s32 s11, s10;
	s21 =	smul.u32 $0x13800, s22  }
0x10: {  	s10 =	sadd.s32 s6, s23;
	s11 =	sshll.u32 s14, $0x7;
	s23 =	sshll.u32 s15, $0x7  }
0x11: {  	s4 =	smul.u32 $0x4E2000, s4;
	s24 =	sadd.s32 $0xA0, s20;
	[dreg:$0x5] =	wrdreg s10  }
0x12: {  	s9 =	sadd.s32 s6, s18;
	s18 =	sadd.s32 $0x77200, s0;
	[dreg:$0x3] =	wrdreg s24  }
0x13: {  	s25 =	sadd.s32 s21, s19;
	s21 =	sadd.s32 s19, s12;
	s14 =	sadd.s32 s19, s26  }
0x14: {  	s13 =	sadd.s32 s19, s11;
	s15 =	sadd.s32 s19, s23;
	s24 =	sshll.u32 s16, $0x7  }
0x15: {  	s5 =	sadd.s32 s19, s5;
	s12 =	sadd.s32 $0xB24C00, s0;
	s6 =	sshrl.u32 s25, $0x3  }
0x16: {  	s25 =	sshll.u32 s17, $0x7;
	s26 =	sadd.s32 s19, s24;
	s11 =	sshrl.u32 s21, $0x3  }
0x17: {  	s14 =	sshrl.u32 s14, $0x3;
	s13 =	sshrl.u32 s13, $0x3;
	s23 =	sshrl.u32 s15, $0x3  }
0x18: {  	s5 =	sshrl.u32 s5, $0x3;
	s4 =	sadd.s32 s4, s12;
	s15 =	sshrl.u32 s20, $0x3  }
0x19: {  	s16 =	sadd.s32 s19, s25;
	s6 =	sadd.s32 s18, s6;
	s19 =	sadd.s32 s18, s14  }
0x1a: {  	s21 =	sadd.s32 s18, s13;
	s24 =	sshrl.u32 s26, $0x3;
	s26 =	smul.u32 $0x4E200, s22  }
0x1b: {  	s5 =	sadd.s32 s18, s5;
	s22 =	sadd.s32 $0xC00, s0;
	[dreg:$0x6] =	wrdreg s6  }
0x1c: {  	s13 =	simm.s32 $0x4;
	s6 =	sadd.s32 s18, s11;
	[dreg:$0x8] =	wrdreg s19  }
0x1d: {  	[dreg:$0x9] =	wrdreg s21;
	s25 =	sadd.s32 s18, s24;
	s11 =	sshrl.u32 s16, $0x3  }
0x1e: {  	[dreg:$0xd] =	wrdreg s5;
	s21 =	sadd.s32 $0x28400, s0;
	s16 =	sadd.s32 s22, s15  }
0x1f: {  	s19 =	sadd.s32 $0x50, s20;
	[dreg:$0x7] =	wrdreg s6;
	s6 =	sadd.s32 s18, s23  }
0x20: {  	[dreg:$0xb] =	wrdreg s25;
	s14 =	sadd.s32 s18, s11;
	s4 =	sadd.s32 s26, s4  }
0x21: {  	s23 =	sadd.s32 $0x14600, s0;
	s0 =	sadd.s32 $0x76C00, s0;
	[dreg:$0xf] =	wrdreg s16  }
0x22: {  	s18 =	sshll.u32 s20, $0x4;
	s20 =	smax.u32 s1, $0x1;
	[dreg:$0xa] =	wrdreg s6  }
0x23: {  	s24 =	sshrl.u32 s19, $0x3;
	s1 =	simm.s32 $0x100;
	[dreg:$0xc] =	wrdreg s14  }
0x24: {  	s16 =	simm.s32 $0x2900;
	s19 =	simm.s32 $0x5180;
	[dreg:$0xe] =	wrdreg s0  }
0x25: {  	s6 =	smov.u32 s9;
	s17 =	sadd.s32 s23, s15;
	[dreg:$0x12] =	wrdreg s20  }
0x26: {  	s0 =	sadd.s32 s12, s18;
	s25 =	sadd.s32 $0x500, s4;
	[dreg:$0x10] =	wrdreg s17  }
0x27: {  	s26 =	sadd.s32 s24, s23;
	s14 =	simm.s32 $0x50;
	[dreg:$0x11] =	wrdreg s0  }
0x28: {  	s15 =	simm.s32 $0x80;
	s18 =	simm.s32 $0x5100;
	[dreg:$0x13] =	wrdreg s25  }
0x29: {  	s20 =	simm.s32 $0x5200;
	[dreg:$0x14] =	wrdreg s26;
	s0 =	sadd.s32 s24, s22  }
0x2a: {  	s17 =	simm.s32 $0x2;
	s24 =	simm.s32 $0x1;
	[dreg:$0x4] =	wrdreg s6  }
0x2b: {  	s25 =	simm.s32 $0x3;
	s26 =	simm.s32 $0x0;
	[dreg:$0x15] =	wrdreg s0  }
.LBB2_1:
0x2c: {  	s0 =	rddreg [dreg:$0xe]  }
0x2d: {  	[tilespmem:s1], [sflag:$0x4] =	stream.linear.gather [hbm4b:s0+s3], $0x2800, $0x38;
	[tilespmem:$0x1B280] =	vst v63  }
0x2e: {  	_ =	swait.ge [sflag:s13], $0x2800  }
0x2f: {  	[sflag:s13] =	ssyncset.done $0x0  }
0x30: {  	[sflag:s13] =	ssyncadd.s32 $0xFFFFD800  }
0x31: {  	[tilespmem:s3], [sflag:$0x4] =	stream.linear.gather [hbm4b:s28+s3], $0x50, $0x38;
	[tilespmem:$0x1B280] =	vst v63  }
0x32: {  	_ =	swait.ge [sflag:s13], $0x50  }
0x33: {  	[sflag:s13] =	ssyncset.done $0x0  }
0x34: {  	[sflag:s13] =	ssyncadd.s32 $0xFFFFFFB0  }
0x35: {  	[spmem:s2] =	stream.indirect.scatter [tilespmem:s1], [sflag:$0x4], $0x80, s3, s14, $0xb8;
	[tilespmem:$0x1B280] =	vst v63  }
0x36: {  	_ =	swait.ge [sflag:s13], $0x2800  }
0x37: {  	[sflag:s13] =	ssyncset.done $0x0  }
0x38: {  	[sflag:s13] =	ssyncadd.s32 $0xFFFFD800  }
0x39: {  	[tilespmem:s3], [sflag:$0x4] =	stream.linear.gather [hbm4b:s29+s3], $0x50, $0x38;
	[tilespmem:$0x1B280] =	vst v63  }
0x3a: {  	_ =	swait.ge [sflag:s13], $0x50  }
0x3b: {  	[sflag:s13] =	ssyncset.done $0x0  }
0x3c: {  	[sflag:s13] =	ssyncadd.s32 $0xFFFFFFB0  }
0x3d: {  	[spmem:s2] =	stream.indirect.scatter [tilespmem:s1], [sflag:$0x4], $0x80, s3, s14, $0xb8;
	[tilespmem:$0x1B280] =	vst v63  }
0x3e: {  	_ =	swait.ge [sflag:s13], $0x2800  }
0x3f: {  	[sflag:s13] =	ssyncset.done $0x0  }
0x40: {  	[sflag:s13] =	ssyncadd.s32 $0xFFFFD800  }
0x41: {  	[tilespmem:s3], [sflag:$0x4] =	stream.linear.gather [hbm4b:s7+s3], $0x50, $0x38;
	[tilespmem:$0x1B280] =	vst v63  }
0x42: {  	_ =	swait.ge [sflag:s13], $0x50  }
0x43: {  	[sflag:s13] =	ssyncset.done $0x0  }
0x44: {  	[sflag:s13] =	ssyncadd.s32 $0xFFFFFFB0  }
0x45: {  	[spmem:s2] =	stream.indirect.scatter [tilespmem:s1], [sflag:$0x4], $0x80, s3, s14, $0xb8;
	[tilespmem:$0x1B280] =	vst v63  }
0x46: {  	_ =	swait.ge [sflag:s13], $0x2800  }
0x47: {  	[sflag:s13] =	ssyncset.done $0x0  }
0x48: {  	[sflag:s13] =	ssyncadd.s32 $0xFFFFD800  }
0x49: {  	[tilespmem:s3], [sflag:$0x4] =	stream.linear.gather [hbm4b:s30+s3], $0x50, $0x38;
	[tilespmem:$0x1B280] =	vst v63  }
0x4a: {  	_ =	swait.ge [sflag:s13], $0x50  }
0x4b: {  	[sflag:s13] =	ssyncset.done $0x0  }
0x4c: {  	[sflag:s13] =	ssyncadd.s32 $0xFFFFFFB0  }
0x4d: {  	[spmem:s2] =	stream.indirect.scatter [tilespmem:s1], [sflag:$0x4], $0x80, s3, s14, $0xb8;
	[tilespmem:$0x1B280] =	vst v63  }
0x4e: {  	_ =	swait.ge [sflag:s13], $0x2800  }
0x4f: {  	[sflag:s13] =	ssyncset.done $0x0  }
0x50: {  	[sflag:s13] =	ssyncadd.s32 $0xFFFFD800  }
0x51: {  	[tilespmem:s3], [sflag:$0x4] =	stream.linear.gather [hbm4b:s8+s3], $0x50, $0x38;
	[tilespmem:$0x1B280] =	vst v63  }
0x52: {  	_ =	swait.ge [sflag:s13], $0x50  }
0x53: {  	[sflag:s13] =	ssyncset.done $0x0  }
0x54: {  	[sflag:s13] =	ssyncadd.s32 $0xFFFFFFB0  }
0x55: {  	[spmem:s2] =	stream.indirect.scatter [tilespmem:s1], [sflag:$0x4], $0x80, s3, s14, $0xb8;
	[tilespmem:$0x1B280] =	vst v63  }
0x56: {  	_ =	swait.ge [sflag:s13], $0x2800  }
0x57: {  	[sflag:s13] =	ssyncset.done $0x0  }
0x58: {  	[sflag:s13] =	ssyncadd.s32 $0xFFFFD800  }
0x59: {  	[tilespmem:s3], [sflag:$0x4] =	stream.linear.gather [hbm4b:s31+s3], $0x50, $0x38;
	[tilespmem:$0x1B280] =	vst v63  }
0x5a: {  	_ =	swait.ge [sflag:s13], $0x50  }
0x5b: {  	[sflag:s13] =	ssyncset.done $0x0  }
0x5c: {  	[sflag:s13] =	ssyncadd.s32 $0xFFFFFFB0  }
0x5d: {  	[spmem:s2] =	stream.indirect.scatter [tilespmem:s1], [sflag:$0x4], $0x80, s3, s14, $0xb8;
	[tilespmem:$0x1B280] =	vst v63  }
0x5e: {  	_ =	swait.ge [sflag:s13], $0x2800  }
0x5f: {  	[sflag:s13] =	ssyncset.done $0x0  }
0x60: {  	[sflag:s13] =	ssyncadd.s32 $0xFFFFD800  }
0x61: {  	[tilespmem:s3], [sflag:$0x4] =	stream.linear.gather [hbm4b:s6+s3], $0x50, $0x38;
	[tilespmem:$0x1B280] =	vst v63  }
0x62: {  	_ =	swait.ge [sflag:s13], $0x50  }
0x63: {  	[sflag:s13] =	ssyncset.done $0x0  }
0x64: {  	[sflag:s13] =	ssyncadd.s32 $0xFFFFFFB0  }
0x65: {  	[spmem:s2] =	stream.indirect.scatter [tilespmem:s1], [sflag:$0x4], $0x80, s3, s14, $0xb8;
	[tilespmem:$0x1B280] =	vst v63  }
0x66: {  	_ =	swait.ge [sflag:s13], $0x2800  }
0x67: {  	[sflag:s13] =	ssyncset.done $0x0  }
0x68: {  	s9 =	smov.u32 s28;
	s28 =	smov.u32 s10;
	[sflag:s13] =	ssyncadd.s32 $0xFFFFD800  }
0x69: {  	[tilespmem:s3], [sflag:$0x4] =	stream.linear.gather [hbm4b:s28+s3], $0x50, $0x38;
	[tilespmem:$0x1B280] =	vst v63  }
0x6a: {  	_ =	swait.ge [sflag:s13], $0x50  }
0x6b: {  	[sflag:s13] =	ssyncset.done $0x0  }
0x6c: {  	[sflag:s13] =	ssyncadd.s32 $0xFFFFFFB0  }
0x6d: {  	[spmem:s2] =	stream.indirect.scatter [tilespmem:s1], [sflag:$0x4], $0x80, s3, s14, $0xb8;
	[tilespmem:$0x1B280] =	vst v63  }
0x6e: {  	_ =	swait.ge [sflag:s13], $0x2800  }
0x6f: {  	[sflag:s13] =	ssyncset.done $0x0  }
0x70: {  	[sflag:s13] =	ssyncadd.s32 $0xFFFFD800  }
0x71: {  	[bflag:$0x0] =	sbarrier.arrive $0xFFFF  }
0x72: {  	s11 =	smov.u32 s7;
	s7 =	rddreg [dreg:$0xf]  }
0x73: {  	[tilespmem:s3], [sflag:$0x2] =	stream.linear.gather [hbm4b:s7+s3], $0x50, $0x38;
	[tilespmem:$0x1B280] =	vst v63  }
0x74: {  	s4 =	smov.u32 s8;
	s8 =	rddreg [dreg:$0x10]  }
0x75: {  	[tilespmem:s15], [sflag:$0x2] =	stream.linear.gather [hbm4b:s8+s3], $0x50, $0x38;
	[tilespmem:$0x1B280] =	vst v63  }
0x76: {  	s7 =	rddreg [dreg:$0x11]  }
0x77: {  	[tilespmem:s16], [sflag:$0x2] =	stream.linear.gather [hbm4b:s7+s3], $0x2800, $0x38;
	[tilespmem:$0x1B280] =	vst v63  }
0x78: {  	_ =	swait.ge [sflag:s17], $0x50  }
0x79: {  	[sflag:s17] =	ssyncset.done $0x0  }
0x7a: {  	[sflag:s17] =	ssyncadd.s32 $0xFFFFFFB0  }
0x7b: {  	_ =	swait.ge [sflag:s17], $0x50  }
0x7c: {  	[sflag:s17] =	ssyncset.done $0x0  }
0x7d: {  	[sflag:s17] =	ssyncadd.s32 $0xFFFFFFB0  }
0x7e: {  	_ =	swait.ge [sflag:s17], $0x2800  }
0x7f: {  	[sflag:s17] =	ssyncset.done $0x0  }
0x80: {  	s7 =	rddreg [dreg:$0x15];
	[sflag:s17] =	ssyncadd.s32 $0xFFFFD800  }
0x81: {  	[tilespmem:s18], [sflag:$0x3] =	stream.linear.gather [hbm4b:s7+s3], $0x50, $0x38;
	[tilespmem:$0x1B280] =	vst v63  }
0x82: {  	s5 =	smov.u32 s31;
	s31 =	rddreg [dreg:$0x14]  }
0x83: {  	[tilespmem:s19], [sflag:$0x3] =	stream.linear.gather [hbm4b:s31+s3], $0x50, $0x38;
	[tilespmem:$0x1B280] =	vst v63  }
0x84: {  	s0 =	smov.u32 s30;
	s30 =	rddreg [dreg:$0x13]  }
0x85: {  	[tilespmem:s20], [sflag:$0x3] =	stream.linear.gather [hbm4b:s30+s3], $0x2800, $0x38;
	[tilespmem:$0x1B280] =	vst v63  }
0x86: {  	_ = 	snop  }
0x87: {  	[tilespmem:s1], [sflag:$0x1] =	stream.indirect.gather [hbm4b:s21+s14], $0x80, s3, s14, $0xb8;
	[tilespmem:$0x1B280] =	vst v63  }
0x88: {  	_ =	swait.ge [sflag:s24], $0x2800  }
0x89: {  	[sflag:s24] =	ssyncset.done $0x0  }
0x8a: {  	[sflag:s24] =	ssyncadd.s32 $0xFFFFD800  }
0x8b: {  	[spmem:s2] =	stream.indirect.scatter.add.f32 [tilespmem:s1], [sflag:$0x1], $0x80, s15, s14, $0xb8;
	[tilespmem:$0x1B280] =	vst v63  }
0x8c: {  	_ = 	snop  }
0x8d: {  	[spmem:s2] =	stream.indirect.scatter.add.f32 [tilespmem:s16], [sflag:$0x1], $0x80, s15, s14, $0xb8;
	[tilespmem:$0x1B280] =	vst v63  }
0x8e: {  	_ =	swait.ge [sflag:s24], $0x2800  }
0x8f: {  	[sflag:s24] =	ssyncset.done $0x0  }
0x90: {  	[sflag:s24] =	ssyncadd.s32 $0xFFFFD800  }
0x91: {  	_ =	swait.ge [sflag:s24], $0x2800  }
0x92: {  	[sflag:s24] =	ssyncset.done $0x0  }
0x93: {  	[sflag:s24] =	ssyncadd.s32 $0xFFFFD800  }
0x94: {  	_ =	swait.ge [sflag:s25], $0x50  }
0x95: {  	[sflag:s25] =	ssyncset.done $0x0  }
0x96: {  	[sflag:s25] =	ssyncadd.s32 $0xFFFFFFB0  }
0x97: {  	_ =	swait.ge [sflag:s25], $0x50  }
0x98: {  	[sflag:s25] =	ssyncset.done $0x0  }
0x99: {  	s8 =	smin.u32 s3, $0xF7;
	[sflag:s25] =	ssyncadd.s32 $0xFFFFFFB0  }
0x9a: {  	s6 =	smul.u32 $0x50, s8;
	_ =	swait.ge [sflag:s25], $0x2800  }
0x9b: {  	s28 =	rddreg [dreg:$0x3]  }
0x9c: {  	s6 =	sadd.s32 s6, s28  }
0x9d: {  	[sflag:s25] =	ssyncset.done $0x0;
	s28 =	sshrl.u32 s6, $0x3  }
0x9e: {  	s10 =	smov.u32 s29;
	[sflag:s25] =	ssyncadd.s32 $0xFFFFD800;
	s29 =	sadd.s32 s22, s28  }
0x9f: {  	[tilespmem:s3], [sflag:$0x2] =	stream.linear.gather [hbm4b:s29+s3], $0x50, $0x38;
	[tilespmem:$0x1B280] =	vst v63  }
0xa0: {  	s6 =	sshll.u32 s6, $0x4;
	s28 =	sadd.s32 s23, s28  }
0xa1: {  	[tilespmem:s15], [sflag:$0x2] =	stream.linear.gather [hbm4b:s28+s3], $0x50, $0x38;
	[tilespmem:$0x1B280] =	vst v63  }
0xa2: {  	s6 =	sadd.s32 s12, s6  }
0xa3: {  	[tilespmem:s16], [sflag:$0x2] =	stream.linear.gather [hbm4b:s6+s3], $0x2800, $0x38;
	[tilespmem:$0x1B280] =	vst v63  }
0xa4: {  	_ = 	snop  }
0xa5: {  	[tilespmem:s1], [sflag:$0x1] =	stream.indirect.gather [hbm4b:s21+s14], $0x80, s18, s14, $0xb8;
	[tilespmem:$0x1B280] =	vst v63  }
0xa6: {  	_ =	swait.ge [sflag:s24], $0x2800  }
0xa7: {  	[sflag:s24] =	ssyncset.done $0x0  }
0xa8: {  	[sflag:s24] =	ssyncadd.s32 $0xFFFFD800  }
0xa9: {  	[spmem:s2] =	stream.indirect.scatter.add.f32 [tilespmem:s1], [sflag:$0x1], $0x80, s19, s14, $0xb8;
	[tilespmem:$0x1B280] =	vst v63  }
0xaa: {  	_ = 	snop  }
0xab: {  	[spmem:s2] =	stream.indirect.scatter.add.f32 [tilespmem:s20], [sflag:$0x1], $0x80, s19, s14, $0xb8;
	[tilespmem:$0x1B280] =	vst v63  }
0xac: {  	_ =	swait.ge [sflag:s24], $0x2800  }
0xad: {  	[sflag:s24] =	ssyncset.done $0x0  }
0xae: {  	[sflag:s24] =	ssyncadd.s32 $0xFFFFD800  }
0xaf: {  	_ =	swait.ge [sflag:s24], $0x2800  }
0xb0: {  	s29 =	sadd.s32 $0x14, s7;
	s28 =	simm.s32 $0x2;
	[sflag:s24] =	ssyncset.done $0x0  }
.LBB2_2:
0xb1: {  	[sflag:s24] =	ssyncadd.s32 $0xFFFFD800  }
0xb2: {  	_ =	swait.ge [sflag:s17], $0x50  }
0xb3: {  	[sflag:s17] =	ssyncset.done $0x0  }
0xb4: {  	[sflag:s17] =	ssyncadd.s32 $0xFFFFFFB0  }
0xb5: {  	_ =	swait.ge [sflag:s17], $0x50  }
0xb6: {  	[sflag:s17] =	ssyncset.done $0x0  }
0xb7: {  	[sflag:s17] =	ssyncadd.s32 $0xFFFFFFB0  }
0xb8: {  	_ =	swait.ge [sflag:s17], $0x2800  }
0xb9: {  	[sflag:s17] =	ssyncset.done $0x0  }
0xba: {  	[sflag:s17] =	ssyncadd.s32 $0xFFFFD800  }
0xbb: {  	[tilespmem:s18], [sflag:$0x3] =	stream.linear.gather [hbm4b:s29+s3], $0x50, $0x38;
	[tilespmem:$0x1B280] =	vst v63  }
0xbc: {  	s31 =	sadd.s32 $0x14, s31  }
0xbd: {  	[tilespmem:s19], [sflag:$0x3] =	stream.linear.gather [hbm4b:s31+s3], $0x50, $0x38;
	[tilespmem:$0x1B280] =	vst v63  }
0xbe: {  	s30 =	sadd.s32 $0xA00, s30  }
0xbf: {  	[tilespmem:s20], [sflag:$0x3] =	stream.linear.gather [hbm4b:s30+s3], $0x2800, $0x38;
	[tilespmem:$0x1B280] =	vst v63  }
0xc0: {  	_ = 	snop  }
0xc1: {  	[tilespmem:s1], [sflag:$0x1] =	stream.indirect.gather [hbm4b:s21+s14], $0x80, s3, s14, $0xb8;
	[tilespmem:$0x1B280] =	vst v63  }
0xc2: {  	_ =	swait.ge [sflag:s24], $0x2800  }
0xc3: {  	[sflag:s24] =	ssyncset.done $0x0  }
0xc4: {  	[sflag:s24] =	ssyncadd.s32 $0xFFFFD800  }
0xc5: {  	[spmem:s2] =	stream.indirect.scatter.add.f32 [tilespmem:s1], [sflag:$0x1], $0x80, s15, s14, $0xb8;
	[tilespmem:$0x1B280] =	vst v63  }
0xc6: {  	_ = 	snop  }
0xc7: {  	[spmem:s2] =	stream.indirect.scatter.add.f32 [tilespmem:s16], [sflag:$0x1], $0x80, s15, s14, $0xb8;
	[tilespmem:$0x1B280] =	vst v63  }
0xc8: {  	_ =	swait.ge [sflag:s24], $0x2800  }
0xc9: {  	[sflag:s24] =	ssyncset.done $0x0  }
0xca: {  	[sflag:s24] =	ssyncadd.s32 $0xFFFFD800  }
0xcb: {  	_ =	swait.ge [sflag:s24], $0x2800  }
0xcc: {  	[sflag:s24] =	ssyncset.done $0x0  }
0xcd: {  	[sflag:s24] =	ssyncadd.s32 $0xFFFFD800  }
0xce: {  	_ =	swait.ge [sflag:s25], $0x50  }
0xcf: {  	[sflag:s25] =	ssyncset.done $0x0  }
0xd0: {  	[sflag:s25] =	ssyncadd.s32 $0xFFFFFFB0  }
0xd1: {  	_ =	swait.ge [sflag:s25], $0x50  }
0xd2: {  	s6 =	smov.u32 s28;
	[sflag:s25] =	ssyncset.done $0x0  }
0xd3: {  	s6 =	smin.u32 s6, $0xF7;
	[sflag:s25] =	ssyncadd.s32 $0xFFFFFFB0  }
0xd4: {  	s6 =	smul.u32 $0x50, s6;
	_ =	swait.ge [sflag:s25], $0x2800  }
0xd5: {  	s7 =	rddreg [dreg:$0x3]  }
0xd6: {  	s6 =	sadd.s32 s6, s7  }
0xd7: {  	[sflag:s25] =	ssyncset.done $0x0;
	s7 =	sshrl.u32 s6, $0x3  }
0xd8: {  	[sflag:s25] =	ssyncadd.s32 $0xFFFFD800;
	s8 =	sadd.s32 s22, s7  }
0xd9: {  	[tilespmem:s3], [sflag:$0x2] =	stream.linear.gather [hbm4b:s8+s3], $0x50, $0x38;
	[tilespmem:$0x1B280] =	vst v63  }
0xda: {  	s6 =	sshll.u32 s6, $0x4;
	s7 =	sadd.s32 s23, s7  }
0xdb: {  	[tilespmem:s15], [sflag:$0x2] =	stream.linear.gather [hbm4b:s7+s3], $0x50, $0x38;
	[tilespmem:$0x1B280] =	vst v63  }
0xdc: {  	s6 =	sadd.s32 s12, s6  }
0xdd: {  	[tilespmem:s16], [sflag:$0x2] =	stream.linear.gather [hbm4b:s6+s3], $0x2800, $0x38;
	[tilespmem:$0x1B280] =	vst v63  }
0xde: {  	_ = 	snop  }
0xdf: {  	[tilespmem:s1], [sflag:$0x1] =	stream.indirect.gather [hbm4b:s21+s14], $0x80, s18, s14, $0xb8;
	[tilespmem:$0x1B280] =	vst v63  }
0xe0: {  	_ =	swait.ge [sflag:s24], $0x2800  }
0xe1: {  	[sflag:s24] =	ssyncset.done $0x0  }
0xe2: {  	[sflag:s24] =	ssyncadd.s32 $0xFFFFD800  }
0xe3: {  	[spmem:s2] =	stream.indirect.scatter.add.f32 [tilespmem:s1], [sflag:$0x1], $0x80, s19, s14, $0xb8;
	[tilespmem:$0x1B280] =	vst v63  }
0xe4: {  	p0 =	sne.s32 s28, $0xF8  }
0xe5: {  	[spmem:s2] =	stream.indirect.scatter.add.f32 [tilespmem:s20], [sflag:$0x1], $0x80, s19, s14, $0xb8;
	[tilespmem:$0x1B280] =	vst v63  }
.Ltmp0:
0xe6: {  	_ =	swait.ge [sflag:s24], $0x2800;
	(pc) =	sbr.rel @p0 .LBB2_2-.Ltmp0, $4  }
0xe7: {  	[sflag:s24] =	ssyncset.done $0x0  }
0xe8: {  	[sflag:s24] =	ssyncadd.s32 $0xFFFFD800  }
0xe9: {  	_ =	swait.ge [sflag:s24], $0x2800  }
0xea: {  	s28 =	sadd.s32 $0x2, s28;
	s29 =	sadd.s32 $0x14, s29;
	[sflag:s24] =	ssyncset.done $0x0  }
0xeb: {  	[sflag:s24] =	ssyncadd.s32 $0xFFFFD800  }
0xec: {  	_ =	swait.ge [sflag:s17], $0x50  }
0xed: {  	[sflag:s17] =	ssyncset.done $0x0  }
0xee: {  	[sflag:s17] =	ssyncadd.s32 $0xFFFFFFB0  }
0xef: {  	_ =	swait.ge [sflag:s17], $0x50  }
0xf0: {  	[sflag:s17] =	ssyncset.done $0x0  }
0xf1: {  	[sflag:s17] =	ssyncadd.s32 $0xFFFFFFB0  }
0xf2: {  	_ =	swait.ge [sflag:s17], $0x2800  }
0xf3: {  	[sflag:s17] =	ssyncset.done $0x0  }
0xf4: {  	[sflag:s17] =	ssyncadd.s32 $0xFFFFD800  }
0xf5: {  	[bflag:$0x0] =	sbarrier.arrive $0xFFFF  }
0xf6: {  	[tilespmem:s3], [sflag:$0x4] =	stream.linear.gather [hbm4b:s9+s3], $0x50, $0x38;
	[tilespmem:$0x1B280] =	vst v63  }
0xf7: {  	_ =	swait.ge [sflag:s13], $0x50  }
0xf8: {  	[sflag:s13] =	ssyncset.done $0x0  }
0xf9: {  	[sflag:s13] =	ssyncadd.s32 $0xFFFFFFB0  }
0xfa: {  	[tilespmem:s1], [sflag:$0x4] =	stream.indirect.gather [spmem:s2], $0x80, s3, s14, $0xb8;
	[tilespmem:$0x1B280] =	vst v63  }
0xfb: {  	_ =	swait.ge [sflag:s13], $0x2800  }
0xfc: {  	[sflag:s13] =	ssyncset.done $0x0  }
0xfd: {  	s6 =	rddreg [dreg:$0x6];
	[sflag:s13] =	ssyncadd.s32 $0xFFFFD800  }
0xfe: {  	[hbm4b:s6+s3] =	stream.linear.scatter [tilespmem:s1], [sflag:$0x4], $0x2800, $0x38;
	[tilespmem:$0x1B280] =	vst v63  }
0xff: {  	_ =	swait.ge [sflag:s13], $0x2800  }
0x100: {  	[sflag:s13] =	ssyncset.done $0x0  }
0x101: {  	[sflag:s13] =	ssyncadd.s32 $0xFFFFD800  }
0x102: {  	[tilespmem:s3], [sflag:$0x4] =	stream.linear.gather [hbm4b:s10+s3], $0x50, $0x38;
	[tilespmem:$0x1B280] =	vst v63  }
0x103: {  	_ =	swait.ge [sflag:s13], $0x50  }
0x104: {  	[sflag:s13] =	ssyncset.done $0x0  }
0x105: {  	[sflag:s13] =	ssyncadd.s32 $0xFFFFFFB0  }
0x106: {  	[tilespmem:s1], [sflag:$0x4] =	stream.indirect.gather [spmem:s2], $0x80, s3, s14, $0xb8;
	[tilespmem:$0x1B280] =	vst v63  }
0x107: {  	_ =	swait.ge [sflag:s13], $0x2800  }
0x108: {  	[sflag:s13] =	ssyncset.done $0x0  }
0x109: {  	s8 =	rddreg [dreg:$0x7];
	[sflag:s13] =	ssyncadd.s32 $0xFFFFD800  }
0x10a: {  	[hbm4b:s8+s3] =	stream.linear.scatter [tilespmem:s1], [sflag:$0x4], $0x2800, $0x38;
	[tilespmem:$0x1B280] =	vst v63  }
0x10b: {  	_ =	swait.ge [sflag:s13], $0x2800  }
0x10c: {  	[sflag:s13] =	ssyncset.done $0x0  }
0x10d: {  	[sflag:s13] =	ssyncadd.s32 $0xFFFFD800  }
0x10e: {  	[tilespmem:s3], [sflag:$0x4] =	stream.linear.gather [hbm4b:s11+s3], $0x50, $0x38;
	[tilespmem:$0x1B280] =	vst v63  }
0x10f: {  	_ =	swait.ge [sflag:s13], $0x50  }
0x110: {  	[sflag:s13] =	ssyncset.done $0x0  }
0x111: {  	[sflag:s13] =	ssyncadd.s32 $0xFFFFFFB0  }
0x112: {  	[tilespmem:s1], [sflag:$0x4] =	stream.indirect.gather [spmem:s2], $0x80, s3, s14, $0xb8;
	[tilespmem:$0x1B280] =	vst v63  }
0x113: {  	_ =	swait.ge [sflag:s13], $0x2800  }
0x114: {  	[sflag:s13] =	ssyncset.done $0x0  }
0x115: {  	s28 =	smov.u32 s9;
	s9 =	rddreg [dreg:$0x8];
	[sflag:s13] =	ssyncadd.s32 $0xFFFFD800  }
0x116: {  	[hbm4b:s9+s3] =	stream.linear.scatter [tilespmem:s1], [sflag:$0x4], $0x2800, $0x38;
	[tilespmem:$0x1B280] =	vst v63  }
0x117: {  	_ =	swait.ge [sflag:s13], $0x2800  }
0x118: {  	[sflag:s13] =	ssyncset.done $0x0  }
0x119: {  	[sflag:s13] =	ssyncadd.s32 $0xFFFFD800  }
0x11a: {  	[tilespmem:s3], [sflag:$0x4] =	stream.linear.gather [hbm4b:s0+s3], $0x50, $0x38;
	[tilespmem:$0x1B280] =	vst v63  }
0x11b: {  	_ =	swait.ge [sflag:s13], $0x50  }
0x11c: {  	[sflag:s13] =	ssyncset.done $0x0  }
0x11d: {  	[sflag:s13] =	ssyncadd.s32 $0xFFFFFFB0  }
0x11e: {  	[tilespmem:s1], [sflag:$0x4] =	stream.indirect.gather [spmem:s2], $0x80, s3, s14, $0xb8;
	[tilespmem:$0x1B280] =	vst v63  }
0x11f: {  	_ =	swait.ge [sflag:s13], $0x2800  }
0x120: {  	[sflag:s13] =	ssyncset.done $0x0  }
0x121: {  	s29 =	smov.u32 s10;
	s10 =	rddreg [dreg:$0x9];
	[sflag:s13] =	ssyncadd.s32 $0xFFFFD800  }
0x122: {  	[hbm4b:s10+s3] =	stream.linear.scatter [tilespmem:s1], [sflag:$0x4], $0x2800, $0x38;
	[tilespmem:$0x1B280] =	vst v63  }
0x123: {  	_ =	swait.ge [sflag:s13], $0x2800  }
0x124: {  	[sflag:s13] =	ssyncset.done $0x0  }
0x125: {  	[sflag:s13] =	ssyncadd.s32 $0xFFFFD800  }
0x126: {  	[tilespmem:s3], [sflag:$0x4] =	stream.linear.gather [hbm4b:s4+s3], $0x50, $0x38;
	[tilespmem:$0x1B280] =	vst v63  }
0x127: {  	_ =	swait.ge [sflag:s13], $0x50  }
0x128: {  	[sflag:s13] =	ssyncset.done $0x0  }
0x129: {  	[sflag:s13] =	ssyncadd.s32 $0xFFFFFFB0  }
0x12a: {  	[tilespmem:s1], [sflag:$0x4] =	stream.indirect.gather [spmem:s2], $0x80, s3, s14, $0xb8;
	[tilespmem:$0x1B280] =	vst v63  }
0x12b: {  	_ =	swait.ge [sflag:s13], $0x2800  }
0x12c: {  	[sflag:s13] =	ssyncset.done $0x0  }
0x12d: {  	s7 =	smov.u32 s11;
	s11 =	rddreg [dreg:$0xa];
	[sflag:s13] =	ssyncadd.s32 $0xFFFFD800  }
0x12e: {  	[hbm4b:s11+s3] =	stream.linear.scatter [tilespmem:s1], [sflag:$0x4], $0x2800, $0x38;
	[tilespmem:$0x1B280] =	vst v63  }
0x12f: {  	_ =	swait.ge [sflag:s13], $0x2800  }
0x130: {  	[sflag:s13] =	ssyncset.done $0x0  }
0x131: {  	[sflag:s13] =	ssyncadd.s32 $0xFFFFD800  }
0x132: {  	[tilespmem:s3], [sflag:$0x4] =	stream.linear.gather [hbm4b:s5+s3], $0x50, $0x38;
	[tilespmem:$0x1B280] =	vst v63  }
0x133: {  	_ =	swait.ge [sflag:s13], $0x50  }
0x134: {  	[sflag:s13] =	ssyncset.done $0x0  }
0x135: {  	[sflag:s13] =	ssyncadd.s32 $0xFFFFFFB0  }
0x136: {  	[tilespmem:s1], [sflag:$0x4] =	stream.indirect.gather [spmem:s2], $0x80, s3, s14, $0xb8;
	[tilespmem:$0x1B280] =	vst v63  }
0x137: {  	_ =	swait.ge [sflag:s13], $0x2800  }
0x138: {  	[sflag:s13] =	ssyncset.done $0x0  }
0x139: {  	s8 =	smov.u32 s4;
	s4 =	rddreg [dreg:$0xb];
	[sflag:s13] =	ssyncadd.s32 $0xFFFFD800  }
0x13a: {  	[hbm4b:s4+s3] =	stream.linear.scatter [tilespmem:s1], [sflag:$0x4], $0x2800, $0x38;
	[tilespmem:$0x1B280] =	vst v63  }
0x13b: {  	_ =	swait.ge [sflag:s13], $0x2800  }
0x13c: {  	[sflag:s13] =	ssyncset.done $0x0  }
0x13d: {  	s6 =	rddreg [dreg:$0x4];
	[sflag:s13] =	ssyncadd.s32 $0xFFFFD800  }
0x13e: {  	[tilespmem:s3], [sflag:$0x4] =	stream.linear.gather [hbm4b:s6+s3], $0x50, $0x38;
	[tilespmem:$0x1B280] =	vst v63  }
0x13f: {  	_ =	swait.ge [sflag:s13], $0x50  }
0x140: {  	[sflag:s13] =	ssyncset.done $0x0  }
0x141: {  	[sflag:s13] =	ssyncadd.s32 $0xFFFFFFB0  }
0x142: {  	[tilespmem:s1], [sflag:$0x4] =	stream.indirect.gather [spmem:s2], $0x80, s3, s14, $0xb8;
	[tilespmem:$0x1B280] =	vst v63  }
0x143: {  	_ =	swait.ge [sflag:s13], $0x2800  }
0x144: {  	[sflag:s13] =	ssyncset.done $0x0  }
0x145: {  	s31 =	smov.u32 s5;
	s5 =	rddreg [dreg:$0xc];
	[sflag:s13] =	ssyncadd.s32 $0xFFFFD800  }
0x146: {  	[hbm4b:s5+s3] =	stream.linear.scatter [tilespmem:s1], [sflag:$0x4], $0x2800, $0x38;
	[tilespmem:$0x1B280] =	vst v63  }
0x147: {  	_ =	swait.ge [sflag:s13], $0x2800  }
0x148: {  	[sflag:s13] =	ssyncset.done $0x0  }
0x149: {  	s10 =	rddreg [dreg:$0x5];
	[sflag:s13] =	ssyncadd.s32 $0xFFFFD800  }
0x14a: {  	[tilespmem:s3], [sflag:$0x4] =	stream.linear.gather [hbm4b:s10+s3], $0x50, $0x38;
	[tilespmem:$0x1B280] =	vst v63  }
0x14b: {  	_ =	swait.ge [sflag:s13], $0x50  }
0x14c: {  	[sflag:s13] =	ssyncset.done $0x0  }
0x14d: {  	[sflag:s13] =	ssyncadd.s32 $0xFFFFFFB0  }
0x14e: {  	[tilespmem:s1], [sflag:$0x4] =	stream.indirect.gather [spmem:s2], $0x80, s3, s14, $0xb8;
	[tilespmem:$0x1B280] =	vst v63  }
0x14f: {  	_ =	swait.ge [sflag:s13], $0x2800  }
0x150: {  	[sflag:s13] =	ssyncset.done $0x0  }
0x151: {  	s9 =	rddreg [dreg:$0xd];
	[sflag:s13] =	ssyncadd.s32 $0xFFFFD800  }
0x152: {  	[hbm4b:s9+s3] =	stream.linear.scatter [tilespmem:s1], [sflag:$0x4], $0x2800, $0x38;
	[tilespmem:$0x1B280] =	vst v63  }
0x153: {  	_ =	swait.ge [sflag:s13], $0x2800  }
0x154: {  	s26 =	sadd.s32 $0x1, s26;
	s11 =	rddreg [dreg:$0x12]  }
0x155: {  	p0 =	sne.s32 s26, s11  }
.Ltmp1:
0x156: {  	_ = 	snop;
	(pc) =	sbr.rel @p0 .LBB2_1-.Ltmp1, $3  }
0x157: {  	_ =	sdelay $0x1  }
0x158: {  	[sflag:s13] =	ssyncset.done $0x0  }
0x159: {  	s30 =	smov.u32 s0;
	[sflag:s13] =	ssyncadd.s32 $0xFFFFD800  }
0x15a: {  	_ =	sfence.sel $0x180000  }
0x15b: {  	[bflag:$0x0] =	sbarrier.arrive $0xFFFF  }
0x15c: {  	_ =	strace $0x90000047  }
0x15d: {  	s0 =	stileid.u32;
	[bflag:$0x2] =	sbarrier.arrive $0xFFFF  }
0x15e: {  	p0 =	sne.s32 s0, $0x0;
	s0 =	rddreg [dreg:$0x2]  }
0x15f: {  	s0 =	sadd.s32 @!p0 $0x100000, s0  }
0x160: {  	[sflag:s0] =	ssyncadd.tile.s32 @!p0 $0x1;
	_ =	shalt  }
.Lfunc_end2:
_tile_overlayer_lowered:
.L_overlay_start_2:
0x161: {  	(tag) =	ssettag $0x2  }
0x162: {  	s0 =	rddreg [dreg:$0x0];
	s2 =	stileid.u32  }
0x163: {  	s1 =	rddreg [dreg:$0x1];
	p0 =	sne.s32 s2, $0x0  }
0x164: {  	s3 =	rddreg [dreg:$0x2];
	[bflag:$0x3] =	sbarrier.arrive $0xFFFF;
	s2 =	simm.s32 @!p0 $0x1C04  }
0x165: {  	[timem:s3], [sflag:s2] =	dma.local @!p0 [hbm:s0], s1  }
0x166: {  	s0 =	simm.s32 @!p0 $0x4  }
0x167: {  	_ =	swait.ge @!p0 [sflag:s0], s1  }
0x168: {  	s1 =	ssub.s32 @!p0 $0x0, s1;
	[sflag:s0] =	ssyncset.done @!p0 $0x0  }
0x169: {  	[sflag:s0] =	ssyncadd.s32 @!p0 s1  }
0x16a: {  	[bflag:$0x3] =	sbarrier.arrive $0xFFFF  }
0x16b: {  	_ =	shalt  }

</sc_bundles>
